<compile_context>
chip_gen: v7x
topology: tpu7x:2x2x1
jax: 0.10.2.dev20260603
libtpu: 0.0.44.dev20260713+nightly
codegen_flags: <defaults>
</compile_context>

<pallas_src>
import jax
import jax.numpy as jnp
from jax import lax
from jax.experimental import pallas as pl
from jax.experimental.pallas import tpu as pltpu
from jax.experimental.pallas import tpu_sc as plsc

B = 128
N = 32768
NEG_INF = float("-inf")

_info = plsc.get_sparse_core_info()
NC, NS = _info.num_cores, _info.num_subcores
NW = NC * NS

SC_ROWS = 64
ROWS_PER_W = SC_ROWS // NW
TC_ROWS = B - SC_ROWS
TC_BLK = 16

C = 8
STEP = C * 16
UNROLL = 4


def _softmax_row_inplace(buf, lane):
    v0 = buf[pl.ds(0, 16)]
    v0 = jnp.where(lane == 0, NEG_INF, v0)
    buf[pl.ds(0, 16)] = v0

    a0 = tuple(jnp.zeros((16,), jnp.float32) for _ in range(C))

    @plsc.parallel_loop(0, N, STEP, unroll=UNROLL, carry=a0)
    def p_exp(i, accs):
        out = []
        for j in range(C):
            e = jnp.exp(buf[pl.ds(i + j * 16, 16)])
            buf[pl.ds(i + j * 16, 16)] = e
            out.append(accs[j] + e)
        return tuple(out)

    acc = p_exp[0]
    for j in range(1, C):
        acc = acc + p_exp[j]
    inv = jnp.ones((16,), jnp.float32) / jnp.broadcast_to(jnp.sum(acc), (16,))

    @plsc.parallel_loop(0, N, STEP, unroll=UNROLL)
    def p_scale(i):
        for j in range(C):
            buf[pl.ds(i + j * 16, 16)] = buf[pl.ds(i + j * 16, 16)] * inv


def _sc_body(in_hbm, out_hbm, b0, b1, b2, si0, si1, si2, so0, so1, so2):
    wid = lax.axis_index("s") * NC + lax.axis_index("c")
    lane = lax.iota(jnp.int32, 16)
    bufs = (b0, b1, b2)
    in_sems = (si0, si1, si2)
    out_sems = (so0, so1, so2)

    def row(r):
        return wid * ROWS_PER_W + r

    depth = min(3, ROWS_PER_W)
    in_cp = [
        pltpu.async_copy(in_hbm.at[row(r)], bufs[r % 3], in_sems[r % 3])
        for r in range(depth)
    ]
    out_cp = [None] * ROWS_PER_W
    for r in range(ROWS_PER_W):
        b = bufs[r % 3]
        in_cp[r].wait()
        _softmax_row_inplace(b, lane)
        out_cp[r] = pltpu.async_copy(b, out_hbm.at[row(r)], out_sems[r % 3])
        nxt = r + 2
        if r >= 1 and nxt < ROWS_PER_W:
            out_cp[r - 1].wait()
            out_cp[r - 1] = None
            in_cp.append(
                pltpu.async_copy(in_hbm.at[row(nxt)], bufs[nxt % 3], in_sems[nxt % 3])
            )
    for cp in out_cp:
        if cp is not None:
            cp.wait()


def _sc_softmax(input):
    return pl.kernel(
        _sc_body,
        out_type=jax.ShapeDtypeStruct((B, N), jnp.float32),
        mesh=plsc.VectorSubcoreMesh(core_axis_name="c", subcore_axis_name="s"),
        scratch_types=[
            pltpu.VMEM((N,), jnp.float32),
            pltpu.VMEM((N,), jnp.float32),
            pltpu.VMEM((N,), jnp.float32),
            pltpu.SemaphoreType.DMA,
            pltpu.SemaphoreType.DMA,
            pltpu.SemaphoreType.DMA,
            pltpu.SemaphoreType.DMA,
            pltpu.SemaphoreType.DMA,
            pltpu.SemaphoreType.DMA,
        ],
        compiler_params=pltpu.CompilerParams(needs_layout_passes=False),
    )(input)


def _tc_kern(x_ref, o_ref):
    x = x_ref[...]
    col = lax.broadcasted_iota(jnp.int32, (TC_BLK, N), 1)
    x = jnp.where(col == 0, NEG_INF, x)
    m = jnp.max(x, axis=1, keepdims=True)
    e = jnp.exp(x - m)
    s = jnp.sum(e, axis=1, keepdims=True)
    o_ref[...] = e / s


def _tc_softmax(input):
    base = SC_ROWS // TC_BLK
    return pl.pallas_call(
        _tc_kern,
        grid=(TC_ROWS // TC_BLK,),
        in_specs=[pl.BlockSpec((TC_BLK, N), lambda i: (base + i, 0))],
        out_specs=pl.BlockSpec((TC_BLK, N), lambda i: (i, 0)),
        out_shape=jax.ShapeDtypeStruct((TC_ROWS, N), jnp.float32),
    )(input)


@jax.jit
def kernel(input):
    sc_full = _sc_softmax(input)
    tc_part = _tc_softmax(input)
    return lax.dynamic_update_slice(sc_full, tc_part, (SC_ROWS, 0))

# --- scband reference (transcript-rebuilt; emitter-appended) ---
"""Pipeline reference for scband-softmax-legal-8065948581896 (READ-ONLY COPY).

The authoritative reference and input builder live on the scoring server;
editing this copy changes nothing except your own understanding.
"""

import jax, jax.numpy as jnp
import numpy as np

B = 128
NUM_ACTIONS = 32768
# Legal indices for arc_standard transition system with len(stack) >= 2 and
# len(buffer) < 1: list(range(num_actions))[1:]  (all actions except shift).
INDICES = jnp.arange(1, NUM_ACTIONS, dtype=jnp.int32)


def setup_inputs(seed: int = 0) -> dict:
    key = jax.random.key(seed)
    x = jax.random.normal(key, (B, NUM_ACTIONS), dtype=jnp.float32)
    return {"input": x}


def reference(input):
    # Faithful translation of SoftmaxLegal.forward:
    #   tmp = F.softmax(input[:, self.indices], dim=1)
    #   ret = torch.zeros_like(input); ret[:, self.indices] = tmp
    idx = INDICES
    gathered = jnp.take(input, idx, axis=1)            # gather legal logits
    tmp = jax.nn.softmax(gathered, axis=1)             # softmax over legal set (dim=1)
    ret = jnp.zeros_like(input)
    ret = ret.at[:, idx].set(tmp)                      # scatter-overwrite back
    return ret

if __name__ == "__main__":
    import jax
    _d = setup_inputs()
    print(jax.jit(kernel)(*tuple(_d.values())))

</pallas_src>

<mosaic_0001>
#map = affine_map<(d0, d1) -> (0, 0)>
module attributes {stable_mosaic.version = 14 : i64} {
  func.func @_sc_body(%arg0: i32, %arg1: i32, %arg2: memref<128x32768xf32, #tpu.memory_space<hbm>>, %arg3: memref<128x32768xf32, #tpu.memory_space<hbm>>, %arg4: memref<32768xf32, #tpu.memory_space<vmem>>, %arg5: memref<32768xf32, #tpu.memory_space<vmem>>, %arg6: memref<32768xf32, #tpu.memory_space<vmem>>, %arg7: memref<!tpu.dma_semaphore, #tpu.memory_space<semaphore_mem>>, %arg8: memref<!tpu.dma_semaphore, #tpu.memory_space<semaphore_mem>>, %arg9: memref<!tpu.dma_semaphore, #tpu.memory_space<semaphore_mem>>, %arg10: memref<!tpu.dma_semaphore, #tpu.memory_space<semaphore_mem>>, %arg11: memref<!tpu.dma_semaphore, #tpu.memory_space<semaphore_mem>>, %arg12: memref<!tpu.dma_semaphore, #tpu.memory_space<semaphore_mem>>) attributes {dimension_semantics = [#tpu.dimension_semantics<core_parallel>, #tpu.dimension_semantics<subcore_parallel>], iteration_bounds = array<i64: 2, 16>, scalar_prefetch = 0 : i64, scratch_operands = 9 : i64, tpu.core_type = #tpu.core_type<sc_vector_subcore>, window_params = [{transform_indices = #map}, {transform_indices = #map}]} {
    %mul3A = arith.constant 2 : i32
    %mul3A_0 = arith.muli %arg1, %mul3A : i32
    %add3A = arith.addi %mul3A_0, %arg0 : i32
    %iota3A = tpu.iota {dimensions = array<i32: 0>} : vector<16xi32>
    %mul3A_1 = arith.constant 2 : i32
    %mul3A_2 = arith.muli %add3A, %mul3A_1 : i32
    %add3A_3 = arith.constant 0 : i32
    %add3A_4 = arith.addi %mul3A_2, %add3A_3 : i32
    %dma_start3A = arith.constant 0 : i32
    %dma_start3A_5 = tpu.memref_slice %arg2[%add3A_4, %dma_start3A] : memref<128x32768xf32, #tpu.memory_space<hbm>> -> memref<1x32768xf32, #tpu.memory_space<hbm>>
    %dma_start3A_6 = tpu.memref_squeeze %dma_start3A_5 : memref<1x32768xf32, #tpu.memory_space<hbm>> -> memref<32768xf32, #tpu.memory_space<hbm>>
    %dma_start3A_7 = arith.constant 0 : i32
    %dma_start3A_8 = tpu.memref_slice %arg2[%add3A_4, %dma_start3A_7] : memref<128x32768xf32, #tpu.memory_space<hbm>> -> memref<1x32768xf32, #tpu.memory_space<hbm>>
    %dma_start3A_9 = tpu.memref_squeeze %dma_start3A_8 : memref<1x32768xf32, #tpu.memory_space<hbm>> -> memref<32768xf32, #tpu.memory_space<hbm>>
    tpu.enqueue_dma source(%dma_start3A_9 : memref<32768xf32, #tpu.memory_space<hbm>>) target(%arg4 : memref<32768xf32, #tpu.memory_space<vmem>>) target_semaphore(%arg7 : memref<!tpu.dma_semaphore, #tpu.memory_space<semaphore_mem>>)
    %mul3A_10 = arith.constant 2 : i32
    %mul3A_11 = arith.muli %add3A, %mul3A_10 : i32
    %add3A_12 = arith.constant 1 : i32
    %add3A_13 = arith.addi %mul3A_11, %add3A_12 : i32
    %dma_start3A_14 = arith.constant 0 : i32
    %dma_start3A_15 = tpu.memref_slice %arg2[%add3A_13, %dma_start3A_14] : memref<128x32768xf32, #tpu.memory_space<hbm>> -> memref<1x32768xf32, #tpu.memory_space<hbm>>
    %dma_start3A_16 = tpu.memref_squeeze %dma_start3A_15 : memref<1x32768xf32, #tpu.memory_space<hbm>> -> memref<32768xf32, #tpu.memory_space<hbm>>
    %dma_start3A_17 = arith.constant 0 : i32
    %dma_start3A_18 = tpu.memref_slice %arg2[%add3A_13, %dma_start3A_17] : memref<128x32768xf32, #tpu.memory_space<hbm>> -> memref<1x32768xf32, #tpu.memory_space<hbm>>
    %dma_start3A_19 = tpu.memref_squeeze %dma_start3A_18 : memref<1x32768xf32, #tpu.memory_space<hbm>> -> memref<32768xf32, #tpu.memory_space<hbm>>
    tpu.enqueue_dma source(%dma_start3A_19 : memref<32768xf32, #tpu.memory_space<hbm>>) target(%arg5 : memref<32768xf32, #tpu.memory_space<vmem>>) target_semaphore(%arg8 : memref<!tpu.dma_semaphore, #tpu.memory_space<semaphore_mem>>)
    %dma_wait3A = arith.constant 0 : i32
    %dma_wait3A_20 = tpu.memref_slice %arg2[%add3A_4, %dma_wait3A] : memref<128x32768xf32, #tpu.memory_space<hbm>> -> memref<1x32768xf32, #tpu.memory_space<hbm>>
    %dma_wait3A_21 = tpu.memref_squeeze %dma_wait3A_20 : memref<1x32768xf32, #tpu.memory_space<hbm>> -> memref<32768xf32, #tpu.memory_space<hbm>>
    %dma_wait3A_22 = arith.constant 0 : i32
    %dma_wait3A_23 = tpu.memref_slice %arg2[%add3A_4, %dma_wait3A_22] : memref<128x32768xf32, #tpu.memory_space<hbm>> -> memref<1x32768xf32, #tpu.memory_space<hbm>>
    %dma_wait3A_24 = tpu.memref_squeeze %dma_wait3A_23 : memref<1x32768xf32, #tpu.memory_space<hbm>> -> memref<32768xf32, #tpu.memory_space<hbm>>
    tpu.wait_dma2 semaphore(%arg7 : memref<!tpu.dma_semaphore, #tpu.memory_space<semaphore_mem>>) src(%dma_wait3A_24 : memref<32768xf32, #tpu.memory_space<hbm>>) dst(%arg4 : memref<32768xf32, #tpu.memory_space<vmem>>)
    %get3A = arith.constant 0 : index
    %get3A_25 = tpu.vector_load %arg4[%get3A] {strides = array<i32>} : memref<32768xf32, #tpu.memory_space<vmem>>, vector<16xf32>,
    %eq3A = arith.constant 0 : i32
    %eq3A_26 = vector.broadcast %eq3A : i32 to vector<16xi32>
    %eq3A_27 = arith.cmpi eq, %iota3A, %eq3A_26 : vector<16xi32>
    %jit3A = arith.constant 0xFF800000 : f32
    %broadcast_in_dim3A = vector.broadcast %jit3A : f32 to vector<16xf32>
    %select_n3A = arith.select %eq3A_27, %broadcast_in_dim3A, %get3A_25 : vector<16xi1>, vector<16xf32>
    %swap3A = arith.constant 0 : index
    %swap3A_28 = tpu.vector_load %arg4[%swap3A] {strides = array<i32>} : memref<32768xf32, #tpu.memory_space<vmem>>, vector<16xf32>,
    tpu.vector_store %arg4[%swap3A], %select_n3A {strides = array<i32>} : memref<32768xf32, #tpu.memory_space<vmem>>, vector<16xf32>,
    %broadcast_in_dim3A_29 = arith.constant 0.000000e+00 : f32
    %broadcast_in_dim3A_30 = vector.broadcast %broadcast_in_dim3A_29 : f32 to vector<16xf32>
    %broadcast_in_dim3A_31 = arith.constant 0.000000e+00 : f32
    %broadcast_in_dim3A_32 = vector.broadcast %broadcast_in_dim3A_31 : f32 to vector<16xf32>
    %broadcast_in_dim3A_33 = arith.constant 0.000000e+00 : f32
    %broadcast_in_dim3A_34 = vector.broadcast %broadcast_in_dim3A_33 : f32 to vector<16xf32>
    %broadcast_in_dim3A_35 = arith.constant 0.000000e+00 : f32
    %broadcast_in_dim3A_36 = vector.broadcast %broadcast_in_dim3A_35 : f32 to vector<16xf32>
    %broadcast_in_dim3A_37 = arith.constant 0.000000e+00 : f32
    %broadcast_in_dim3A_38 = vector.broadcast %broadcast_in_dim3A_37 : f32 to vector<16xf32>
    %broadcast_in_dim3A_39 = arith.constant 0.000000e+00 : f32
    %broadcast_in_dim3A_40 = vector.broadcast %broadcast_in_dim3A_39 : f32 to vector<16xf32>
    %broadcast_in_dim3A_41 = arith.constant 0.000000e+00 : f32
    %broadcast_in_dim3A_42 = vector.broadcast %broadcast_in_dim3A_41 : f32 to vector<16xf32>
    %broadcast_in_dim3A_43 = arith.constant 0.000000e+00 : f32
    %broadcast_in_dim3A_44 = vector.broadcast %broadcast_in_dim3A_43 : f32 to vector<16xf32>
    %parallel_loop3A = arith.constant 0 : i32
    %parallel_loop3A_45 = arith.constant 32768 : i32
    %parallel_loop3A_46 = arith.constant 128 : i32
    %parallel_loop3A_47:8 = scf.for %parallel_loop3A_150 = %parallel_loop3A to %parallel_loop3A_45 step %parallel_loop3A_46 iter_args(%parallel_loop3A_151 = %broadcast_in_dim3A_30, %parallel_loop3A_152 = %broadcast_in_dim3A_32, %parallel_loop3A_153 = %broadcast_in_dim3A_34, %parallel_loop3A_154 = %broadcast_in_dim3A_36, %parallel_loop3A_155 = %broadcast_in_dim3A_38, %parallel_loop3A_156 = %broadcast_in_dim3A_40, %parallel_loop3A_157 = %broadcast_in_dim3A_42, %parallel_loop3A_158 = %broadcast_in_dim3A_44) -> (vector<16xf32>, vector<16xf32>, vector<16xf32>, vector<16xf32>, vector<16xf32>, vector<16xf32>, vector<16xf32>, vector<16xf32>)  : i32 {
      %parallel_loop3A_159 = arith.constant 0 : i32
      %parallel_loop3A_160 = arith.addi %parallel_loop3A_150, %parallel_loop3A_159 : i32
      %parallel_loop3A_161 = arith.index_cast %parallel_loop3A_160 : i32 to index
      %parallel_loop3A_162 = tpu.vector_load %arg4[%parallel_loop3A_161] {strides = array<i32>} : memref<32768xf32, #tpu.memory_space<vmem>>, vector<16xf32>,
      %parallel_loop3A_163 = math.exp %parallel_loop3A_162 : vector<16xf32>
      %parallel_loop3A_164 = arith.constant 0 : i32
      %parallel_loop3A_165 = arith.addi %parallel_loop3A_150, %parallel_loop3A_164 : i32
      %parallel_loop3A_166 = arith.index_cast %parallel_loop3A_165 : i32 to index
      %parallel_loop3A_167 = tpu.vector_load %arg4[%parallel_loop3A_166] {strides = array<i32>} : memref<32768xf32, #tpu.memory_space<vmem>>, vector<16xf32>,
      tpu.vector_store %arg4[%parallel_loop3A_166], %parallel_loop3A_163 {strides = array<i32>} : memref<32768xf32, #tpu.memory_space<vmem>>, vector<16xf32>,
      %parallel_loop3A_168 = arith.addf %parallel_loop3A_151, %parallel_loop3A_163 : vector<16xf32>
      %parallel_loop3A_169 = arith.constant 16 : i32
      %parallel_loop3A_170 = arith.addi %parallel_loop3A_150, %parallel_loop3A_169 : i32
      %parallel_loop3A_171 = arith.index_cast %parallel_loop3A_170 : i32 to index
      %parallel_loop3A_172 = tpu.vector_load %arg4[%parallel_loop3A_171] {strides = array<i32>} : memref<32768xf32, #tpu.memory_space<vmem>>, vector<16xf32>,
      %parallel_loop3A_173 = math.exp %parallel_loop3A_172 : vector<16xf32>
      %parallel_loop3A_174 = arith.constant 16 : i32
      %parallel_loop3A_175 = arith.addi %parallel_loop3A_150, %parallel_loop3A_174 : i32
      %parallel_loop3A_176 = arith.index_cast %parallel_loop3A_175 : i32 to index
      %parallel_loop3A_177 = tpu.vector_load %arg4[%parallel_loop3A_176] {strides = array<i32>} : memref<32768xf32, #tpu.memory_space<vmem>>, vector<16xf32>,
      tpu.vector_store %arg4[%parallel_loop3A_176], %parallel_loop3A_173 {strides = array<i32>} : memref<32768xf32, #tpu.memory_space<vmem>>, vector<16xf32>,
      %parallel_loop3A_178 = arith.addf %parallel_loop3A_152, %parallel_loop3A_173 : vector<16xf32>
      %parallel_loop3A_179 = arith.constant 32 : i32
      %parallel_loop3A_180 = arith.addi %parallel_loop3A_150, %parallel_loop3A_179 : i32
      %parallel_loop3A_181 = arith.index_cast %parallel_loop3A_180 : i32 to index
      %parallel_loop3A_182 = tpu.vector_load %arg4[%parallel_loop3A_181] {strides = array<i32>} : memref<32768xf32, #tpu.memory_space<vmem>>, vector<16xf32>,
      %parallel_loop3A_183 = math.exp %parallel_loop3A_182 : vector<16xf32>
      %parallel_loop3A_184 = arith.constant 32 : i32
      %parallel_loop3A_185 = arith.addi %parallel_loop3A_150, %parallel_loop3A_184 : i32
      %parallel_loop3A_186 = arith.index_cast %parallel_loop3A_185 : i32 to index
      %parallel_loop3A_187 = tpu.vector_load %arg4[%parallel_loop3A_186] {strides = array<i32>} : memref<32768xf32, #tpu.memory_space<vmem>>, vector<16xf32>,
      tpu.vector_store %arg4[%parallel_loop3A_186], %parallel_loop3A_183 {strides = array<i32>} : memref<32768xf32, #tpu.memory_space<vmem>>, vector<16xf32>,
      %parallel_loop3A_188 = arith.addf %parallel_loop3A_153, %parallel_loop3A_183 : vector<16xf32>
      %parallel_loop3A_189 = arith.constant 48 : i32
      %parallel_loop3A_190 = arith.addi %parallel_loop3A_150, %parallel_loop3A_189 : i32
      %parallel_loop3A_191 = arith.index_cast %parallel_loop3A_190 : i32 to index
      %parallel_loop3A_192 = tpu.vector_load %arg4[%parallel_loop3A_191] {strides = array<i32>} : memref<32768xf32, #tpu.memory_space<vmem>>, vector<16xf32>,
      %parallel_loop3A_193 = math.exp %parallel_loop3A_192 : vector<16xf32>
      %parallel_loop3A_194 = arith.constant 48 : i32
      %parallel_loop3A_195 = arith.addi %parallel_loop3A_150, %parallel_loop3A_194 : i32
      %parallel_loop3A_196 = arith.index_cast %parallel_loop3A_195 : i32 to index
      %parallel_loop3A_197 = tpu.vector_load %arg4[%parallel_loop3A_196] {strides = array<i32>} : memref<32768xf32, #tpu.memory_space<vmem>>, vector<16xf32>,
      tpu.vector_store %arg4[%parallel_loop3A_196], %parallel_loop3A_193 {strides = array<i32>} : memref<32768xf32, #tpu.memory_space<vmem>>, vector<16xf32>,
      %parallel_loop3A_198 = arith.addf %parallel_loop3A_154, %parallel_loop3A_193 : vector<16xf32>
      %parallel_loop3A_199 = arith.constant 64 : i32
      %parallel_loop3A_200 = arith.addi %parallel_loop3A_150, %parallel_loop3A_199 : i32
      %parallel_loop3A_201 = arith.index_cast %parallel_loop3A_200 : i32 to index
      %parallel_loop3A_202 = tpu.vector_load %arg4[%parallel_loop3A_201] {strides = array<i32>} : memref<32768xf32, #tpu.memory_space<vmem>>, vector<16xf32>,
      %parallel_loop3A_203 = math.exp %parallel_loop3A_202 : vector<16xf32>
      %parallel_loop3A_204 = arith.constant 64 : i32
      %parallel_loop3A_205 = arith.addi %parallel_loop3A_150, %parallel_loop3A_204 : i32
      %parallel_loop3A_206 = arith.index_cast %parallel_loop3A_205 : i32 to index
      %parallel_loop3A_207 = tpu.vector_load %arg4[%parallel_loop3A_206] {strides = array<i32>} : memref<32768xf32, #tpu.memory_space<vmem>>, vector<16xf32>,
      tpu.vector_store %arg4[%parallel_loop3A_206], %parallel_loop3A_203 {strides = array<i32>} : memref<32768xf32, #tpu.memory_space<vmem>>, vector<16xf32>,
      %parallel_loop3A_208 = arith.addf %parallel_loop3A_155, %parallel_loop3A_203 : vector<16xf32>
      %parallel_loop3A_209 = arith.constant 80 : i32
      %parallel_loop3A_210 = arith.addi %parallel_loop3A_150, %parallel_loop3A_209 : i32
      %parallel_loop3A_211 = arith.index_cast %parallel_loop3A_210 : i32 to index
      %parallel_loop3A_212 = tpu.vector_load %arg4[%parallel_loop3A_211] {strides = array<i32>} : memref<32768xf32, #tpu.memory_space<vmem>>, vector<16xf32>,
      %parallel_loop3A_213 = math.exp %parallel_loop3A_212 : vector<16xf32>
      %parallel_loop3A_214 = arith.constant 80 : i32
      %parallel_loop3A_215 = arith.addi %parallel_loop3A_150, %parallel_loop3A_214 : i32
      %parallel_loop3A_216 = arith.index_cast %parallel_loop3A_215 : i32 to index
      %parallel_loop3A_217 = tpu.vector_load %arg4[%parallel_loop3A_216] {strides = array<i32>} : memref<32768xf32, #tpu.memory_space<vmem>>, vector<16xf32>,
      tpu.vector_store %arg4[%parallel_loop3A_216], %parallel_loop3A_213 {strides = array<i32>} : memref<32768xf32, #tpu.memory_space<vmem>>, vector<16xf32>,
      %parallel_loop3A_218 = arith.addf %parallel_loop3A_156, %parallel_loop3A_213 : vector<16xf32>
      %parallel_loop3A_219 = arith.constant 96 : i32
      %parallel_loop3A_220 = arith.addi %parallel_loop3A_150, %parallel_loop3A_219 : i32
      %parallel_loop3A_221 = arith.index_cast %parallel_loop3A_220 : i32 to index
      %parallel_loop3A_222 = tpu.vector_load %arg4[%parallel_loop3A_221] {strides = array<i32>} : memref<32768xf32, #tpu.memory_space<vmem>>, vector<16xf32>,
      %parallel_loop3A_223 = math.exp %parallel_loop3A_222 : vector<16xf32>
      %parallel_loop3A_224 = arith.constant 96 : i32
      %parallel_loop3A_225 = arith.addi %parallel_loop3A_150, %parallel_loop3A_224 : i32
      %parallel_loop3A_226 = arith.index_cast %parallel_loop3A_225 : i32 to index
      %parallel_loop3A_227 = tpu.vector_load %arg4[%parallel_loop3A_226] {strides = array<i32>} : memref<32768xf32, #tpu.memory_space<vmem>>, vector<16xf32>,
      tpu.vector_store %arg4[%parallel_loop3A_226], %parallel_loop3A_223 {strides = array<i32>} : memref<32768xf32, #tpu.memory_space<vmem>>, vector<16xf32>,
      %parallel_loop3A_228 = arith.addf %parallel_loop3A_157, %parallel_loop3A_223 : vector<16xf32>
      %parallel_loop3A_229 = arith.constant 112 : i32
      %parallel_loop3A_230 = arith.addi %parallel_loop3A_150, %parallel_loop3A_229 : i32
      %parallel_loop3A_231 = arith.index_cast %parallel_loop3A_230 : i32 to index
      %parallel_loop3A_232 = tpu.vector_load %arg4[%parallel_loop3A_231] {strides = array<i32>} : memref<32768xf32, #tpu.memory_space<vmem>>, vector<16xf32>,
      %parallel_loop3A_233 = math.exp %parallel_loop3A_232 : vector<16xf32>
      %parallel_loop3A_234 = arith.constant 112 : i32
      %parallel_loop3A_235 = arith.addi %parallel_loop3A_150, %parallel_loop3A_234 : i32
      %parallel_loop3A_236 = arith.index_cast %parallel_loop3A_235 : i32 to index
      %parallel_loop3A_237 = tpu.vector_load %arg4[%parallel_loop3A_236] {strides = array<i32>} : memref<32768xf32, #tpu.memory_space<vmem>>, vector<16xf32>,
      tpu.vector_store %arg4[%parallel_loop3A_236], %parallel_loop3A_233 {strides = array<i32>} : memref<32768xf32, #tpu.memory_space<vmem>>, vector<16xf32>,
      %parallel_loop3A_238 = arith.addf %parallel_loop3A_158, %parallel_loop3A_233 : vector<16xf32>
      scf.yield %parallel_loop3A_168, %parallel_loop3A_178, %parallel_loop3A_188, %parallel_loop3A_198, %parallel_loop3A_208, %parallel_loop3A_218, %parallel_loop3A_228, %parallel_loop3A_238 : vector<16xf32>, vector<16xf32>, vector<16xf32>, vector<16xf32>, vector<16xf32>, vector<16xf32>, vector<16xf32>, vector<16xf32>
    } {sc.loop_unroll_factor = 4 : i64, sc.parallel_access}
    %add3A_48 = arith.addf %parallel_loop3A_47#0, %parallel_loop3A_47#1 : vector<16xf32>
    %add3A_49 = arith.addf %add3A_48, %parallel_loop3A_47#2 : vector<16xf32>
    %add3A_50 = arith.addf %add3A_49, %parallel_loop3A_47#3 : vector<16xf32>
    %add3A_51 = arith.addf %add3A_50, %parallel_loop3A_47#4 : vector<16xf32>
    %add3A_52 = arith.addf %add3A_51, %parallel_loop3A_47#5 : vector<16xf32>
    %add3A_53 = arith.addf %add3A_52, %parallel_loop3A_47#6 : vector<16xf32>
    %add3A_54 = arith.addf %add3A_53, %parallel_loop3A_47#7 : vector<16xf32>
    %broadcast_in_dim3A_55 = arith.constant 1.000000e+00 : f32
    %broadcast_in_dim3A_56 = vector.broadcast %broadcast_in_dim3A_55 : f32 to vector<16xf32>
    %reduce_sum3A = arith.constant true
    %reduce_sum3A_57 = vector.broadcast %reduce_sum3A : i1 to vector<16xi1>
    %reduce_sum3A_58 = tpu.scan <sum>, %add3A_54 masked %reduce_sum3A_57 : vector<16xf32>, vector<16xi1> -> vector<16xf32>
    %reduce_sum3A_59 = vector.extract %reduce_sum3A_58[15] : f32 from vector<16xf32>
    %broadcast_in_dim3A_60 = vector.broadcast %reduce_sum3A_59 : f32 to vector<16xf32>
    %div3A = arith.divf %broadcast_in_dim3A_56, %broadcast_in_dim3A_60 : vector<16xf32>
    %parallel_loop3A_61 = arith.constant 0 : i32
    %parallel_loop3A_62 = arith.constant 32768 : i32
    %parallel_loop3A_63 = arith.constant 128 : i32
    scf.for %parallel_loop3A_150 = %parallel_loop3A_61 to %parallel_loop3A_62 step %parallel_loop3A_63  : i32 {
      %parallel_loop3A_151 = arith.constant 0 : i32
      %parallel_loop3A_152 = arith.addi %parallel_loop3A_150, %parallel_loop3A_151 : i32
      %parallel_loop3A_153 = arith.index_cast %parallel_loop3A_152 : i32 to index
      %parallel_loop3A_154 = tpu.vector_load %arg4[%parallel_loop3A_153] {strides = array<i32>} : memref<32768xf32, #tpu.memory_space<vmem>>, vector<16xf32>,
      %parallel_loop3A_155 = arith.mulf %parallel_loop3A_154, %div3A : vector<16xf32>
      %parallel_loop3A_156 = arith.constant 0 : i32
      %parallel_loop3A_157 = arith.addi %parallel_loop3A_150, %parallel_loop3A_156 : i32
      %parallel_loop3A_158 = arith.index_cast %parallel_loop3A_157 : i32 to index
      %parallel_loop3A_159 = tpu.vector_load %arg4[%parallel_loop3A_158] {strides = array<i32>} : memref<32768xf32, #tpu.memory_space<vmem>>, vector<16xf32>,
      tpu.vector_store %arg4[%parallel_loop3A_158], %parallel_loop3A_155 {strides = array<i32>} : memref<32768xf32, #tpu.memory_space<vmem>>, vector<16xf32>,
      %parallel_loop3A_160 = arith.constant 16 : i32
      %parallel_loop3A_161 = arith.addi %parallel_loop3A_150, %parallel_loop3A_160 : i32
      %parallel_loop3A_162 = arith.index_cast %parallel_loop3A_161 : i32 to index
      %parallel_loop3A_163 = tpu.vector_load %arg4[%parallel_loop3A_162] {strides = array<i32>} : memref<32768xf32, #tpu.memory_space<vmem>>, vector<16xf32>,
      %parallel_loop3A_164 = arith.mulf %parallel_loop3A_163, %div3A : vector<16xf32>
      %parallel_loop3A_165 = arith.constant 16 : i32
      %parallel_loop3A_166 = arith.addi %parallel_loop3A_150, %parallel_loop3A_165 : i32
      %parallel_loop3A_167 = arith.index_cast %parallel_loop3A_166 : i32 to index
      %parallel_loop3A_168 = tpu.vector_load %arg4[%parallel_loop3A_167] {strides = array<i32>} : memref<32768xf32, #tpu.memory_space<vmem>>, vector<16xf32>,
      tpu.vector_store %arg4[%parallel_loop3A_167], %parallel_loop3A_164 {strides = array<i32>} : memref<32768xf32, #tpu.memory_space<vmem>>, vector<16xf32>,
      %parallel_loop3A_169 = arith.constant 32 : i32
      %parallel_loop3A_170 = arith.addi %parallel_loop3A_150, %parallel_loop3A_169 : i32
      %parallel_loop3A_171 = arith.index_cast %parallel_loop3A_170 : i32 to index
      %parallel_loop3A_172 = tpu.vector_load %arg4[%parallel_loop3A_171] {strides = array<i32>} : memref<32768xf32, #tpu.memory_space<vmem>>, vector<16xf32>,
      %parallel_loop3A_173 = arith.mulf %parallel_loop3A_172, %div3A : vector<16xf32>
      %parallel_loop3A_174 = arith.constant 32 : i32
      %parallel_loop3A_175 = arith.addi %parallel_loop3A_150, %parallel_loop3A_174 : i32
      %parallel_loop3A_176 = arith.index_cast %parallel_loop3A_175 : i32 to index
      %parallel_loop3A_177 = tpu.vector_load %arg4[%parallel_loop3A_176] {strides = array<i32>} : memref<32768xf32, #tpu.memory_space<vmem>>, vector<16xf32>,
      tpu.vector_store %arg4[%parallel_loop3A_176], %parallel_loop3A_173 {strides = array<i32>} : memref<32768xf32, #tpu.memory_space<vmem>>, vector<16xf32>,
      %parallel_loop3A_178 = arith.constant 48 : i32
      %parallel_loop3A_179 = arith.addi %parallel_loop3A_150, %parallel_loop3A_178 : i32
      %parallel_loop3A_180 = arith.index_cast %parallel_loop3A_179 : i32 to index
      %parallel_loop3A_181 = tpu.vector_load %arg4[%parallel_loop3A_180] {strides = array<i32>} : memref<32768xf32, #tpu.memory_space<vmem>>, vector<16xf32>,
      %parallel_loop3A_182 = arith.mulf %parallel_loop3A_181, %div3A : vector<16xf32>
      %parallel_loop3A_183 = arith.constant 48 : i32
      %parallel_loop3A_184 = arith.addi %parallel_loop3A_150, %parallel_loop3A_183 : i32
      %parallel_loop3A_185 = arith.index_cast %parallel_loop3A_184 : i32 to index
      %parallel_loop3A_186 = tpu.vector_load %arg4[%parallel_loop3A_185] {strides = array<i32>} : memref<32768xf32, #tpu.memory_space<vmem>>, vector<16xf32>,
      tpu.vector_store %arg4[%parallel_loop3A_185], %parallel_loop3A_182 {strides = array<i32>} : memref<32768xf32, #tpu.memory_space<vmem>>, vector<16xf32>,
      %parallel_loop3A_187 = arith.constant 64 : i32
      %parallel_loop3A_188 = arith.addi %parallel_loop3A_150, %parallel_loop3A_187 : i32
      %parallel_loop3A_189 = arith.index_cast %parallel_loop3A_188 : i32 to index
      %parallel_loop3A_190 = tpu.vector_load %arg4[%parallel_loop3A_189] {strides = array<i32>} : memref<32768xf32, #tpu.memory_space<vmem>>, vector<16xf32>,
      %parallel_loop3A_191 = arith.mulf %parallel_loop3A_190, %div3A : vector<16xf32>
      %parallel_loop3A_192 = arith.constant 64 : i32
      %parallel_loop3A_193 = arith.addi %parallel_loop3A_150, %parallel_loop3A_192 : i32
      %parallel_loop3A_194 = arith.index_cast %parallel_loop3A_193 : i32 to index
      %parallel_loop3A_195 = tpu.vector_load %arg4[%parallel_loop3A_194] {strides = array<i32>} : memref<32768xf32, #tpu.memory_space<vmem>>, vector<16xf32>,
      tpu.vector_store %arg4[%parallel_loop3A_194], %parallel_loop3A_191 {strides = array<i32>} : memref<32768xf32, #tpu.memory_space<vmem>>, vector<16xf32>,
      %parallel_loop3A_196 = arith.constant 80 : i32
      %parallel_loop3A_197 = arith.addi %parallel_loop3A_150, %parallel_loop3A_196 : i32
      %parallel_loop3A_198 = arith.index_cast %parallel_loop3A_197 : i32 to index
      %parallel_loop3A_199 = tpu.vector_load %arg4[%parallel_loop3A_198] {strides = array<i32>} : memref<32768xf32, #tpu.memory_space<vmem>>, vector<16xf32>,
      %parallel_loop3A_200 = arith.mulf %parallel_loop3A_199, %div3A : vector<16xf32>
      %parallel_loop3A_201 = arith.constant 80 : i32
      %parallel_loop3A_202 = arith.addi %parallel_loop3A_150, %parallel_loop3A_201 : i32
      %parallel_loop3A_203 = arith.index_cast %parallel_loop3A_202 : i32 to index
      %parallel_loop3A_204 = tpu.vector_load %arg4[%parallel_loop3A_203] {strides = array<i32>} : memref<32768xf32, #tpu.memory_space<vmem>>, vector<16xf32>,
      tpu.vector_store %arg4[%parallel_loop3A_203], %parallel_loop3A_200 {strides = array<i32>} : memref<32768xf32, #tpu.memory_space<vmem>>, vector<16xf32>,
      %parallel_loop3A_205 = arith.constant 96 : i32
      %parallel_loop3A_206 = arith.addi %parallel_loop3A_150, %parallel_loop3A_205 : i32
      %parallel_loop3A_207 = arith.index_cast %parallel_loop3A_206 : i32 to index
      %parallel_loop3A_208 = tpu.vector_load %arg4[%parallel_loop3A_207] {strides = array<i32>} : memref<32768xf32, #tpu.memory_space<vmem>>, vector<16xf32>,
      %parallel_loop3A_209 = arith.mulf %parallel_loop3A_208, %div3A : vector<16xf32>
      %parallel_loop3A_210 = arith.constant 96 : i32
      %parallel_loop3A_211 = arith.addi %parallel_loop3A_150, %parallel_loop3A_210 : i32
      %parallel_loop3A_212 = arith.index_cast %parallel_loop3A_211 : i32 to index
      %parallel_loop3A_213 = tpu.vector_load %arg4[%parallel_loop3A_212] {strides = array<i32>} : memref<32768xf32, #tpu.memory_space<vmem>>, vector<16xf32>,
      tpu.vector_store %arg4[%parallel_loop3A_212], %parallel_loop3A_209 {strides = array<i32>} : memref<32768xf32, #tpu.memory_space<vmem>>, vector<16xf32>,
      %parallel_loop3A_214 = arith.constant 112 : i32
      %parallel_loop3A_215 = arith.addi %parallel_loop3A_150, %parallel_loop3A_214 : i32
      %parallel_loop3A_216 = arith.index_cast %parallel_loop3A_215 : i32 to index
      %parallel_loop3A_217 = tpu.vector_load %arg4[%parallel_loop3A_216] {strides = array<i32>} : memref<32768xf32, #tpu.memory_space<vmem>>, vector<16xf32>,
      %parallel_loop3A_218 = arith.mulf %parallel_loop3A_217, %div3A : vector<16xf32>
      %parallel_loop3A_219 = arith.constant 112 : i32
      %parallel_loop3A_220 = arith.addi %parallel_loop3A_150, %parallel_loop3A_219 : i32
      %parallel_loop3A_221 = arith.index_cast %parallel_loop3A_220 : i32 to index
      %parallel_loop3A_222 = tpu.vector_load %arg4[%parallel_loop3A_221] {strides = array<i32>} : memref<32768xf32, #tpu.memory_space<vmem>>, vector<16xf32>,
      tpu.vector_store %arg4[%parallel_loop3A_221], %parallel_loop3A_218 {strides = array<i32>} : memref<32768xf32, #tpu.memory_space<vmem>>, vector<16xf32>,
    } {sc.loop_unroll_factor = 4 : i64, sc.parallel_access}
    %mul3A_64 = arith.constant 2 : i32
    %mul3A_65 = arith.muli %add3A, %mul3A_64 : i32
    %add3A_66 = arith.constant 0 : i32
    %add3A_67 = arith.addi %mul3A_65, %add3A_66 : i32
    %dma_start3A_68 = arith.constant 0 : i32
    %dma_start3A_69 = tpu.memref_slice %arg3[%add3A_67, %dma_start3A_68] : memref<128x32768xf32, #tpu.memory_space<hbm>> -> memref<1x32768xf32, #tpu.memory_space<hbm>>
    %dma_start3A_70 = tpu.memref_squeeze %dma_start3A_69 : memref<1x32768xf32, #tpu.memory_space<hbm>> -> memref<32768xf32, #tpu.memory_space<hbm>>
    %dma_start3A_71 = arith.constant 0 : i32
    %dma_start3A_72 = tpu.memref_slice %arg3[%add3A_67, %dma_start3A_71] : memref<128x32768xf32, #tpu.memory_space<hbm>> -> memref<1x32768xf32, #tpu.memory_space<hbm>>
    %dma_start3A_73 = tpu.memref_squeeze %dma_start3A_72 : memref<1x32768xf32, #tpu.memory_space<hbm>> -> memref<32768xf32, #tpu.memory_space<hbm>>
    tpu.enqueue_dma source(%arg4 : memref<32768xf32, #tpu.memory_space<vmem>>) target(%dma_start3A_73 : memref<32768xf32, #tpu.memory_space<hbm>>) target_semaphore(%arg10 : memref<!tpu.dma_semaphore, #tpu.memory_space<semaphore_mem>>)
    %dma_wait3A_74 = arith.constant 0 : i32
    %dma_wait3A_75 = tpu.memref_slice %arg2[%add3A_13, %dma_wait3A_74] : memref<128x32768xf32, #tpu.memory_space<hbm>> -> memref<1x32768xf32, #tpu.memory_space<hbm>>
    %dma_wait3A_76 = tpu.memref_squeeze %dma_wait3A_75 : memref<1x32768xf32, #tpu.memory_space<hbm>> -> memref<32768xf32, #tpu.memory_space<hbm>>
    %dma_wait3A_77 = arith.constant 0 : i32
    %dma_wait3A_78 = tpu.memref_slice %arg2[%add3A_13, %dma_wait3A_77] : memref<128x32768xf32, #tpu.memory_space<hbm>> -> memref<1x32768xf32, #tpu.memory_space<hbm>>
    %dma_wait3A_79 = tpu.memref_squeeze %dma_wait3A_78 : memref<1x32768xf32, #tpu.memory_space<hbm>> -> memref<32768xf32, #tpu.memory_space<hbm>>
    tpu.wait_dma2 semaphore(%arg8 : memref<!tpu.dma_semaphore, #tpu.memory_space<semaphore_mem>>) src(%dma_wait3A_79 : memref<32768xf32, #tpu.memory_space<hbm>>) dst(%arg5 : memref<32768xf32, #tpu.memory_space<vmem>>)
    %get3A_80 = arith.constant 0 : index
    %get3A_81 = tpu.vector_load %arg5[%get3A_80] {strides = array<i32>} : memref<32768xf32, #tpu.memory_space<vmem>>, vector<16xf32>,
    %eq3A_82 = arith.constant 0 : i32
    %eq3A_83 = vector.broadcast %eq3A_82 : i32 to vector<16xi32>
    %eq3A_84 = arith.cmpi eq, %iota3A, %eq3A_83 : vector<16xi32>
    %jit3A_85 = arith.constant 0xFF800000 : f32
    %broadcast_in_dim3A_86 = vector.broadcast %jit3A_85 : f32 to vector<16xf32>
    %select_n3A_87 = arith.select %eq3A_84, %broadcast_in_dim3A_86, %get3A_81 : vector<16xi1>, vector<16xf32>
    %swap3A_88 = arith.constant 0 : index
    %swap3A_89 = tpu.vector_load %arg5[%swap3A_88] {strides = array<i32>} : memref<32768xf32, #tpu.memory_space<vmem>>, vector<16xf32>,
    tpu.vector_store %arg5[%swap3A_88], %select_n3A_87 {strides = array<i32>} : memref<32768xf32, #tpu.memory_space<vmem>>, vector<16xf32>,
    %broadcast_in_dim3A_90 = arith.constant 0.000000e+00 : f32
    %broadcast_in_dim3A_91 = vector.broadcast %broadcast_in_dim3A_90 : f32 to vector<16xf32>
    %broadcast_in_dim3A_92 = arith.constant 0.000000e+00 : f32
    %broadcast_in_dim3A_93 = vector.broadcast %broadcast_in_dim3A_92 : f32 to vector<16xf32>
    %broadcast_in_dim3A_94 = arith.constant 0.000000e+00 : f32
    %broadcast_in_dim3A_95 = vector.broadcast %broadcast_in_dim3A_94 : f32 to vector<16xf32>
    %broadcast_in_dim3A_96 = arith.constant 0.000000e+00 : f32
    %broadcast_in_dim3A_97 = vector.broadcast %broadcast_in_dim3A_96 : f32 to vector<16xf32>
    %broadcast_in_dim3A_98 = arith.constant 0.000000e+00 : f32
    %broadcast_in_dim3A_99 = vector.broadcast %broadcast_in_dim3A_98 : f32 to vector<16xf32>
    %broadcast_in_dim3A_100 = arith.constant 0.000000e+00 : f32
    %broadcast_in_dim3A_101 = vector.broadcast %broadcast_in_dim3A_100 : f32 to vector<16xf32>
    %broadcast_in_dim3A_102 = arith.constant 0.000000e+00 : f32
    %broadcast_in_dim3A_103 = vector.broadcast %broadcast_in_dim3A_102 : f32 to vector<16xf32>
    %broadcast_in_dim3A_104 = arith.constant 0.000000e+00 : f32
    %broadcast_in_dim3A_105 = vector.broadcast %broadcast_in_dim3A_104 : f32 to vector<16xf32>
    %parallel_loop3A_106 = arith.constant 0 : i32
    %parallel_loop3A_107 = arith.constant 32768 : i32
    %parallel_loop3A_108 = arith.constant 128 : i32
    %parallel_loop3A_109:8 = scf.for %parallel_loop3A_150 = %parallel_loop3A_106 to %parallel_loop3A_107 step %parallel_loop3A_108 iter_args(%parallel_loop3A_151 = %broadcast_in_dim3A_91, %parallel_loop3A_152 = %broadcast_in_dim3A_93, %parallel_loop3A_153 = %broadcast_in_dim3A_95, %parallel_loop3A_154 = %broadcast_in_dim3A_97, %parallel_loop3A_155 = %broadcast_in_dim3A_99, %parallel_loop3A_156 = %broadcast_in_dim3A_101, %parallel_loop3A_157 = %broadcast_in_dim3A_103, %parallel_loop3A_158 = %broadcast_in_dim3A_105) -> (vector<16xf32>, vector<16xf32>, vector<16xf32>, vector<16xf32>, vector<16xf32>, vector<16xf32>, vector<16xf32>, vector<16xf32>)  : i32 {
      %parallel_loop3A_159 = arith.constant 0 : i32
      %parallel_loop3A_160 = arith.addi %parallel_loop3A_150, %parallel_loop3A_159 : i32
      %parallel_loop3A_161 = arith.index_cast %parallel_loop3A_160 : i32 to index
      %parallel_loop3A_162 = tpu.vector_load %arg5[%parallel_loop3A_161] {strides = array<i32>} : memref<32768xf32, #tpu.memory_space<vmem>>, vector<16xf32>,
      %parallel_loop3A_163 = math.exp %parallel_loop3A_162 : vector<16xf32>
      %parallel_loop3A_164 = arith.constant 0 : i32
      %parallel_loop3A_165 = arith.addi %parallel_loop3A_150, %parallel_loop3A_164 : i32
      %parallel_loop3A_166 = arith.index_cast %parallel_loop3A_165 : i32 to index
      %parallel_loop3A_167 = tpu.vector_load %arg5[%parallel_loop3A_166] {strides = array<i32>} : memref<32768xf32, #tpu.memory_space<vmem>>, vector<16xf32>,
      tpu.vector_store %arg5[%parallel_loop3A_166], %parallel_loop3A_163 {strides = array<i32>} : memref<32768xf32, #tpu.memory_space<vmem>>, vector<16xf32>,
      %parallel_loop3A_168 = arith.addf %parallel_loop3A_151, %parallel_loop3A_163 : vector<16xf32>
      %parallel_loop3A_169 = arith.constant 16 : i32
      %parallel_loop3A_170 = arith.addi %parallel_loop3A_150, %parallel_loop3A_169 : i32
      %parallel_loop3A_171 = arith.index_cast %parallel_loop3A_170 : i32 to index
      %parallel_loop3A_172 = tpu.vector_load %arg5[%parallel_loop3A_171] {strides = array<i32>} : memref<32768xf32, #tpu.memory_space<vmem>>, vector<16xf32>,
      %parallel_loop3A_173 = math.exp %parallel_loop3A_172 : vector<16xf32>
      %parallel_loop3A_174 = arith.constant 16 : i32
      %parallel_loop3A_175 = arith.addi %parallel_loop3A_150, %parallel_loop3A_174 : i32
      %parallel_loop3A_176 = arith.index_cast %parallel_loop3A_175 : i32 to index
      %parallel_loop3A_177 = tpu.vector_load %arg5[%parallel_loop3A_176] {strides = array<i32>} : memref<32768xf32, #tpu.memory_space<vmem>>, vector<16xf32>,
      tpu.vector_store %arg5[%parallel_loop3A_176], %parallel_loop3A_173 {strides = array<i32>} : memref<32768xf32, #tpu.memory_space<vmem>>, vector<16xf32>,
      %parallel_loop3A_178 = arith.addf %parallel_loop3A_152, %parallel_loop3A_173 : vector<16xf32>
      %parallel_loop3A_179 = arith.constant 32 : i32
      %parallel_loop3A_180 = arith.addi %parallel_loop3A_150, %parallel_loop3A_179 : i32
      %parallel_loop3A_181 = arith.index_cast %parallel_loop3A_180 : i32 to index
      %parallel_loop3A_182 = tpu.vector_load %arg5[%parallel_loop3A_181] {strides = array<i32>} : memref<32768xf32, #tpu.memory_space<vmem>>, vector<16xf32>,
      %parallel_loop3A_183 = math.exp %parallel_loop3A_182 : vector<16xf32>
      %parallel_loop3A_184 = arith.constant 32 : i32
      %parallel_loop3A_185 = arith.addi %parallel_loop3A_150, %parallel_loop3A_184 : i32
      %parallel_loop3A_186 = arith.index_cast %parallel_loop3A_185 : i32 to index
      %parallel_loop3A_187 = tpu.vector_load %arg5[%parallel_loop3A_186] {strides = array<i32>} : memref<32768xf32, #tpu.memory_space<vmem>>, vector<16xf32>,
      tpu.vector_store %arg5[%parallel_loop3A_186], %parallel_loop3A_183 {strides = array<i32>} : memref<32768xf32, #tpu.memory_space<vmem>>, vector<16xf32>,
      %parallel_loop3A_188 = arith.addf %parallel_loop3A_153, %parallel_loop3A_183 : vector<16xf32>
      %parallel_loop3A_189 = arith.constant 48 : i32
      %parallel_loop3A_190 = arith.addi %parallel_loop3A_150, %parallel_loop3A_189 : i32
      %parallel_loop3A_191 = arith.index_cast %parallel_loop3A_190 : i32 to index
      %parallel_loop3A_192 = tpu.vector_load %arg5[%parallel_loop3A_191] {strides = array<i32>} : memref<32768xf32, #tpu.memory_space<vmem>>, vector<16xf32>,
      %parallel_loop3A_193 = math.exp %parallel_loop3A_192 : vector<16xf32>
      %parallel_loop3A_194 = arith.constant 48 : i32
      %parallel_loop3A_195 = arith.addi %parallel_loop3A_150, %parallel_loop3A_194 : i32
      %parallel_loop3A_196 = arith.index_cast %parallel_loop3A_195 : i32 to index
      %parallel_loop3A_197 = tpu.vector_load %arg5[%parallel_loop3A_196] {strides = array<i32>} : memref<32768xf32, #tpu.memory_space<vmem>>, vector<16xf32>,
      tpu.vector_store %arg5[%parallel_loop3A_196], %parallel_loop3A_193 {strides = array<i32>} : memref<32768xf32, #tpu.memory_space<vmem>>, vector<16xf32>,
      %parallel_loop3A_198 = arith.addf %parallel_loop3A_154, %parallel_loop3A_193 : vector<16xf32>
      %parallel_loop3A_199 = arith.constant 64 : i32
      %parallel_loop3A_200 = arith.addi %parallel_loop3A_150, %parallel_loop3A_199 : i32
      %parallel_loop3A_201 = arith.index_cast %parallel_loop3A_200 : i32 to index
      %parallel_loop3A_202 = tpu.vector_load %arg5[%parallel_loop3A_201] {strides = array<i32>} : memref<32768xf32, #tpu.memory_space<vmem>>, vector<16xf32>,
      %parallel_loop3A_203 = math.exp %parallel_loop3A_202 : vector<16xf32>
      %parallel_loop3A_204 = arith.constant 64 : i32
      %parallel_loop3A_205 = arith.addi %parallel_loop3A_150, %parallel_loop3A_204 : i32
      %parallel_loop3A_206 = arith.index_cast %parallel_loop3A_205 : i32 to index
      %parallel_loop3A_207 = tpu.vector_load %arg5[%parallel_loop3A_206] {strides = array<i32>} : memref<32768xf32, #tpu.memory_space<vmem>>, vector<16xf32>,
      tpu.vector_store %arg5[%parallel_loop3A_206], %parallel_loop3A_203 {strides = array<i32>} : memref<32768xf32, #tpu.memory_space<vmem>>, vector<16xf32>,
      %parallel_loop3A_208 = arith.addf %parallel_loop3A_155, %parallel_loop3A_203 : vector<16xf32>
      %parallel_loop3A_209 = arith.constant 80 : i32
      %parallel_loop3A_210 = arith.addi %parallel_loop3A_150, %parallel_loop3A_209 : i32
      %parallel_loop3A_211 = arith.index_cast %parallel_loop3A_210 : i32 to index
      %parallel_loop3A_212 = tpu.vector_load %arg5[%parallel_loop3A_211] {strides = array<i32>} : memref<32768xf32, #tpu.memory_space<vmem>>, vector<16xf32>,
      %parallel_loop3A_213 = math.exp %parallel_loop3A_212 : vector<16xf32>
      %parallel_loop3A_214 = arith.constant 80 : i32
      %parallel_loop3A_215 = arith.addi %parallel_loop3A_150, %parallel_loop3A_214 : i32
      %parallel_loop3A_216 = arith.index_cast %parallel_loop3A_215 : i32 to index
      %parallel_loop3A_217 = tpu.vector_load %arg5[%parallel_loop3A_216] {strides = array<i32>} : memref<32768xf32, #tpu.memory_space<vmem>>, vector<16xf32>,
      tpu.vector_store %arg5[%parallel_loop3A_216], %parallel_loop3A_213 {strides = array<i32>} : memref<32768xf32, #tpu.memory_space<vmem>>, vector<16xf32>,
      %parallel_loop3A_218 = arith.addf %parallel_loop3A_156, %parallel_loop3A_213 : vector<16xf32>
      %parallel_loop3A_219 = arith.constant 96 : i32
      %parallel_loop3A_220 = arith.addi %parallel_loop3A_150, %parallel_loop3A_219 : i32
      %parallel_loop3A_221 = arith.index_cast %parallel_loop3A_220 : i32 to index
      %parallel_loop3A_222 = tpu.vector_load %arg5[%parallel_loop3A_221] {strides = array<i32>} : memref<32768xf32, #tpu.memory_space<vmem>>, vector<16xf32>,
      %parallel_loop3A_223 = math.exp %parallel_loop3A_222 : vector<16xf32>
      %parallel_loop3A_224 = arith.constant 96 : i32
      %parallel_loop3A_225 = arith.addi %parallel_loop3A_150, %parallel_loop3A_224 : i32
      %parallel_loop3A_226 = arith.index_cast %parallel_loop3A_225 : i32 to index
      %parallel_loop3A_227 = tpu.vector_load %arg5[%parallel_loop3A_226] {strides = array<i32>} : memref<32768xf32, #tpu.memory_space<vmem>>, vector<16xf32>,
      tpu.vector_store %arg5[%parallel_loop3A_226], %parallel_loop3A_223 {strides = array<i32>} : memref<32768xf32, #tpu.memory_space<vmem>>, vector<16xf32>,
      %parallel_loop3A_228 = arith.addf %parallel_loop3A_157, %parallel_loop3A_223 : vector<16xf32>
      %parallel_loop3A_229 = arith.constant 112 : i32
      %parallel_loop3A_230 = arith.addi %parallel_loop3A_150, %parallel_loop3A_229 : i32
      %parallel_loop3A_231 = arith.index_cast %parallel_loop3A_230 : i32 to index
      %parallel_loop3A_232 = tpu.vector_load %arg5[%parallel_loop3A_231] {strides = array<i32>} : memref<32768xf32, #tpu.memory_space<vmem>>, vector<16xf32>,
      %parallel_loop3A_233 = math.exp %parallel_loop3A_232 : vector<16xf32>
      %parallel_loop3A_234 = arith.constant 112 : i32
      %parallel_loop3A_235 = arith.addi %parallel_loop3A_150, %parallel_loop3A_234 : i32
      %parallel_loop3A_236 = arith.index_cast %parallel_loop3A_235 : i32 to index
      %parallel_loop3A_237 = tpu.vector_load %arg5[%parallel_loop3A_236] {strides = array<i32>} : memref<32768xf32, #tpu.memory_space<vmem>>, vector<16xf32>,
      tpu.vector_store %arg5[%parallel_loop3A_236], %parallel_loop3A_233 {strides = array<i32>} : memref<32768xf32, #tpu.memory_space<vmem>>, vector<16xf32>,
      %parallel_loop3A_238 = arith.addf %parallel_loop3A_158, %parallel_loop3A_233 : vector<16xf32>
      scf.yield %parallel_loop3A_168, %parallel_loop3A_178, %parallel_loop3A_188, %parallel_loop3A_198, %parallel_loop3A_208, %parallel_loop3A_218, %parallel_loop3A_228, %parallel_loop3A_238 : vector<16xf32>, vector<16xf32>, vector<16xf32>, vector<16xf32>, vector<16xf32>, vector<16xf32>, vector<16xf32>, vector<16xf32>
    } {sc.loop_unroll_factor = 4 : i64, sc.parallel_access}
    %add3A_110 = arith.addf %parallel_loop3A_109#0, %parallel_loop3A_109#1 : vector<16xf32>
    %add3A_111 = arith.addf %add3A_110, %parallel_loop3A_109#2 : vector<16xf32>
    %add3A_112 = arith.addf %add3A_111, %parallel_loop3A_109#3 : vector<16xf32>
    %add3A_113 = arith.addf %add3A_112, %parallel_loop3A_109#4 : vector<16xf32>
    %add3A_114 = arith.addf %add3A_113, %parallel_loop3A_109#5 : vector<16xf32>
    %add3A_115 = arith.addf %add3A_114, %parallel_loop3A_109#6 : vector<16xf32>
    %add3A_116 = arith.addf %add3A_115, %parallel_loop3A_109#7 : vector<16xf32>
    %broadcast_in_dim3A_117 = arith.constant 1.000000e+00 : f32
    %broadcast_in_dim3A_118 = vector.broadcast %broadcast_in_dim3A_117 : f32 to vector<16xf32>
    %reduce_sum3A_119 = arith.constant true
    %reduce_sum3A_120 = vector.broadcast %reduce_sum3A_119 : i1 to vector<16xi1>
    %reduce_sum3A_121 = tpu.scan <sum>, %add3A_116 masked %reduce_sum3A_120 : vector<16xf32>, vector<16xi1> -> vector<16xf32>
    %reduce_sum3A_122 = vector.extract %reduce_sum3A_121[15] : f32 from vector<16xf32>
    %broadcast_in_dim3A_123 = vector.broadcast %reduce_sum3A_122 : f32 to vector<16xf32>
    %div3A_124 = arith.divf %broadcast_in_dim3A_118, %broadcast_in_dim3A_123 : vector<16xf32>
    %parallel_loop3A_125 = arith.constant 0 : i32
    %parallel_loop3A_126 = arith.constant 32768 : i32
    %parallel_loop3A_127 = arith.constant 128 : i32
    scf.for %parallel_loop3A_150 = %parallel_loop3A_125 to %parallel_loop3A_126 step %parallel_loop3A_127  : i32 {
      %parallel_loop3A_151 = arith.constant 0 : i32
      %parallel_loop3A_152 = arith.addi %parallel_loop3A_150, %parallel_loop3A_151 : i32
      %parallel_loop3A_153 = arith.index_cast %parallel_loop3A_152 : i32 to index
      %parallel_loop3A_154 = tpu.vector_load %arg5[%parallel_loop3A_153] {strides = array<i32>} : memref<32768xf32, #tpu.memory_space<vmem>>, vector<16xf32>,
      %parallel_loop3A_155 = arith.mulf %parallel_loop3A_154, %div3A_124 : vector<16xf32>
      %parallel_loop3A_156 = arith.constant 0 : i32
      %parallel_loop3A_157 = arith.addi %parallel_loop3A_150, %parallel_loop3A_156 : i32
      %parallel_loop3A_158 = arith.index_cast %parallel_loop3A_157 : i32 to index
      %parallel_loop3A_159 = tpu.vector_load %arg5[%parallel_loop3A_158] {strides = array<i32>} : memref<32768xf32, #tpu.memory_space<vmem>>, vector<16xf32>,
      tpu.vector_store %arg5[%parallel_loop3A_158], %parallel_loop3A_155 {strides = array<i32>} : memref<32768xf32, #tpu.memory_space<vmem>>, vector<16xf32>,
      %parallel_loop3A_160 = arith.constant 16 : i32
      %parallel_loop3A_161 = arith.addi %parallel_loop3A_150, %parallel_loop3A_160 : i32
      %parallel_loop3A_162 = arith.index_cast %parallel_loop3A_161 : i32 to index
      %parallel_loop3A_163 = tpu.vector_load %arg5[%parallel_loop3A_162] {strides = array<i32>} : memref<32768xf32, #tpu.memory_space<vmem>>, vector<16xf32>,
      %parallel_loop3A_164 = arith.mulf %parallel_loop3A_163, %div3A_124 : vector<16xf32>
      %parallel_loop3A_165 = arith.constant 16 : i32
      %parallel_loop3A_166 = arith.addi %parallel_loop3A_150, %parallel_loop3A_165 : i32
      %parallel_loop3A_167 = arith.index_cast %parallel_loop3A_166 : i32 to index
      %parallel_loop3A_168 = tpu.vector_load %arg5[%parallel_loop3A_167] {strides = array<i32>} : memref<32768xf32, #tpu.memory_space<vmem>>, vector<16xf32>,
      tpu.vector_store %arg5[%parallel_loop3A_167], %parallel_loop3A_164 {strides = array<i32>} : memref<32768xf32, #tpu.memory_space<vmem>>, vector<16xf32>,
      %parallel_loop3A_169 = arith.constant 32 : i32
      %parallel_loop3A_170 = arith.addi %parallel_loop3A_150, %parallel_loop3A_169 : i32
      %parallel_loop3A_171 = arith.index_cast %parallel_loop3A_170 : i32 to index
      %parallel_loop3A_172 = tpu.vector_load %arg5[%parallel_loop3A_171] {strides = array<i32>} : memref<32768xf32, #tpu.memory_space<vmem>>, vector<16xf32>,
      %parallel_loop3A_173 = arith.mulf %parallel_loop3A_172, %div3A_124 : vector<16xf32>
      %parallel_loop3A_174 = arith.constant 32 : i32
      %parallel_loop3A_175 = arith.addi %parallel_loop3A_150, %parallel_loop3A_174 : i32
      %parallel_loop3A_176 = arith.index_cast %parallel_loop3A_175 : i32 to index
      %parallel_loop3A_177 = tpu.vector_load %arg5[%parallel_loop3A_176] {strides = array<i32>} : memref<32768xf32, #tpu.memory_space<vmem>>, vector<16xf32>,
      tpu.vector_store %arg5[%parallel_loop3A_176], %parallel_loop3A_173 {strides = array<i32>} : memref<32768xf32, #tpu.memory_space<vmem>>, vector<16xf32>,
      %parallel_loop3A_178 = arith.constant 48 : i32
      %parallel_loop3A_179 = arith.addi %parallel_loop3A_150, %parallel_loop3A_178 : i32
      %parallel_loop3A_180 = arith.index_cast %parallel_loop3A_179 : i32 to index
      %parallel_loop3A_181 = tpu.vector_load %arg5[%parallel_loop3A_180] {strides = array<i32>} : memref<32768xf32, #tpu.memory_space<vmem>>, vector<16xf32>,
      %parallel_loop3A_182 = arith.mulf %parallel_loop3A_181, %div3A_124 : vector<16xf32>
      %parallel_loop3A_183 = arith.constant 48 : i32
      %parallel_loop3A_184 = arith.addi %parallel_loop3A_150, %parallel_loop3A_183 : i32
      %parallel_loop3A_185 = arith.index_cast %parallel_loop3A_184 : i32 to index
      %parallel_loop3A_186 = tpu.vector_load %arg5[%parallel_loop3A_185] {strides = array<i32>} : memref<32768xf32, #tpu.memory_space<vmem>>, vector<16xf32>,
      tpu.vector_store %arg5[%parallel_loop3A_185], %parallel_loop3A_182 {strides = array<i32>} : memref<32768xf32, #tpu.memory_space<vmem>>, vector<16xf32>,
      %parallel_loop3A_187 = arith.constant 64 : i32
      %parallel_loop3A_188 = arith.addi %parallel_loop3A_150, %parallel_loop3A_187 : i32
      %parallel_loop3A_189 = arith.index_cast %parallel_loop3A_188 : i32 to index
      %parallel_loop3A_190 = tpu.vector_load %arg5[%parallel_loop3A_189] {strides = array<i32>} : memref<32768xf32, #tpu.memory_space<vmem>>, vector<16xf32>,
      %parallel_loop3A_191 = arith.mulf %parallel_loop3A_190, %div3A_124 : vector<16xf32>
      %parallel_loop3A_192 = arith.constant 64 : i32
      %parallel_loop3A_193 = arith.addi %parallel_loop3A_150, %parallel_loop3A_192 : i32
      %parallel_loop3A_194 = arith.index_cast %parallel_loop3A_193 : i32 to index
      %parallel_loop3A_195 = tpu.vector_load %arg5[%parallel_loop3A_194] {strides = array<i32>} : memref<32768xf32, #tpu.memory_space<vmem>>, vector<16xf32>,
      tpu.vector_store %arg5[%parallel_loop3A_194], %parallel_loop3A_191 {strides = array<i32>} : memref<32768xf32, #tpu.memory_space<vmem>>, vector<16xf32>,
      %parallel_loop3A_196 = arith.constant 80 : i32
      %parallel_loop3A_197 = arith.addi %parallel_loop3A_150, %parallel_loop3A_196 : i32
      %parallel_loop3A_198 = arith.index_cast %parallel_loop3A_197 : i32 to index
      %parallel_loop3A_199 = tpu.vector_load %arg5[%parallel_loop3A_198] {strides = array<i32>} : memref<32768xf32, #tpu.memory_space<vmem>>, vector<16xf32>,
      %parallel_loop3A_200 = arith.mulf %parallel_loop3A_199, %div3A_124 : vector<16xf32>
      %parallel_loop3A_201 = arith.constant 80 : i32
      %parallel_loop3A_202 = arith.addi %parallel_loop3A_150, %parallel_loop3A_201 : i32
      %parallel_loop3A_203 = arith.index_cast %parallel_loop3A_202 : i32 to index
      %parallel_loop3A_204 = tpu.vector_load %arg5[%parallel_loop3A_203] {strides = array<i32>} : memref<32768xf32, #tpu.memory_space<vmem>>, vector<16xf32>,
      tpu.vector_store %arg5[%parallel_loop3A_203], %parallel_loop3A_200 {strides = array<i32>} : memref<32768xf32, #tpu.memory_space<vmem>>, vector<16xf32>,
      %parallel_loop3A_205 = arith.constant 96 : i32
      %parallel_loop3A_206 = arith.addi %parallel_loop3A_150, %parallel_loop3A_205 : i32
      %parallel_loop3A_207 = arith.index_cast %parallel_loop3A_206 : i32 to index
      %parallel_loop3A_208 = tpu.vector_load %arg5[%parallel_loop3A_207] {strides = array<i32>} : memref<32768xf32, #tpu.memory_space<vmem>>, vector<16xf32>,
      %parallel_loop3A_209 = arith.mulf %parallel_loop3A_208, %div3A_124 : vector<16xf32>
      %parallel_loop3A_210 = arith.constant 96 : i32
      %parallel_loop3A_211 = arith.addi %parallel_loop3A_150, %parallel_loop3A_210 : i32
      %parallel_loop3A_212 = arith.index_cast %parallel_loop3A_211 : i32 to index
      %parallel_loop3A_213 = tpu.vector_load %arg5[%parallel_loop3A_212] {strides = array<i32>} : memref<32768xf32, #tpu.memory_space<vmem>>, vector<16xf32>,
      tpu.vector_store %arg5[%parallel_loop3A_212], %parallel_loop3A_209 {strides = array<i32>} : memref<32768xf32, #tpu.memory_space<vmem>>, vector<16xf32>,
      %parallel_loop3A_214 = arith.constant 112 : i32
      %parallel_loop3A_215 = arith.addi %parallel_loop3A_150, %parallel_loop3A_214 : i32
      %parallel_loop3A_216 = arith.index_cast %parallel_loop3A_215 : i32 to index
      %parallel_loop3A_217 = tpu.vector_load %arg5[%parallel_loop3A_216] {strides = array<i32>} : memref<32768xf32, #tpu.memory_space<vmem>>, vector<16xf32>,
      %parallel_loop3A_218 = arith.mulf %parallel_loop3A_217, %div3A_124 : vector<16xf32>
      %parallel_loop3A_219 = arith.constant 112 : i32
      %parallel_loop3A_220 = arith.addi %parallel_loop3A_150, %parallel_loop3A_219 : i32
      %parallel_loop3A_221 = arith.index_cast %parallel_loop3A_220 : i32 to index
      %parallel_loop3A_222 = tpu.vector_load %arg5[%parallel_loop3A_221] {strides = array<i32>} : memref<32768xf32, #tpu.memory_space<vmem>>, vector<16xf32>,
      tpu.vector_store %arg5[%parallel_loop3A_221], %parallel_loop3A_218 {strides = array<i32>} : memref<32768xf32, #tpu.memory_space<vmem>>, vector<16xf32>,
    } {sc.loop_unroll_factor = 4 : i64, sc.parallel_access}
    %mul3A_128 = arith.constant 2 : i32
    %mul3A_129 = arith.muli %add3A, %mul3A_128 : i32
    %add3A_130 = arith.constant 1 : i32
    %add3A_131 = arith.addi %mul3A_129, %add3A_130 : i32
    %dma_start3A_132 = arith.constant 0 : i32
    %dma_start3A_133 = tpu.memref_slice %arg3[%add3A_131, %dma_start3A_132] : memref<128x32768xf32, #tpu.memory_space<hbm>> -> memref<1x32768xf32, #tpu.memory_space<hbm>>
    %dma_start3A_134 = tpu.memref_squeeze %dma_start3A_133 : memref<1x32768xf32, #tpu.memory_space<hbm>> -> memref<32768xf32, #tpu.memory_space<hbm>>
    %dma_start3A_135 = arith.constant 0 : i32
    %dma_start3A_136 = tpu.memref_slice %arg3[%add3A_131, %dma_start3A_135] : memref<128x32768xf32, #tpu.memory_space<hbm>> -> memref<1x32768xf32, #tpu.memory_space<hbm>>
    %dma_start3A_137 = tpu.memref_squeeze %dma_start3A_136 : memref<1x32768xf32, #tpu.memory_space<hbm>> -> memref<32768xf32, #tpu.memory_space<hbm>>
    tpu.enqueue_dma source(%arg5 : memref<32768xf32, #tpu.memory_space<vmem>>) target(%dma_start3A_137 : memref<32768xf32, #tpu.memory_space<hbm>>) target_semaphore(%arg11 : memref<!tpu.dma_semaphore, #tpu.memory_space<semaphore_mem>>)
    %dma_wait3A_138 = arith.constant 0 : i32
    %dma_wait3A_139 = tpu.memref_slice %arg3[%add3A_67, %dma_wait3A_138] : memref<128x32768xf32, #tpu.memory_space<hbm>> -> memref<1x32768xf32, #tpu.memory_space<hbm>>
    %dma_wait3A_140 = tpu.memref_squeeze %dma_wait3A_139 : memref<1x32768xf32, #tpu.memory_space<hbm>> -> memref<32768xf32, #tpu.memory_space<hbm>>
    %dma_wait3A_141 = arith.constant 0 : i32
    %dma_wait3A_142 = tpu.memref_slice %arg3[%add3A_67, %dma_wait3A_141] : memref<128x32768xf32, #tpu.memory_space<hbm>> -> memref<1x32768xf32, #tpu.memory_space<hbm>>
    %dma_wait3A_143 = tpu.memref_squeeze %dma_wait3A_142 : memref<1x32768xf32, #tpu.memory_space<hbm>> -> memref<32768xf32, #tpu.memory_space<hbm>>
    tpu.wait_dma2 semaphore(%arg10 : memref<!tpu.dma_semaphore, #tpu.memory_space<semaphore_mem>>) src(%arg4 : memref<32768xf32, #tpu.memory_space<vmem>>) dst(%dma_wait3A_143 : memref<32768xf32, #tpu.memory_space<hbm>>)
    %dma_wait3A_144 = arith.constant 0 : i32
    %dma_wait3A_145 = tpu.memref_slice %arg3[%add3A_131, %dma_wait3A_144] : memref<128x32768xf32, #tpu.memory_space<hbm>> -> memref<1x32768xf32, #tpu.memory_space<hbm>>
    %dma_wait3A_146 = tpu.memref_squeeze %dma_wait3A_145 : memref<1x32768xf32, #tpu.memory_space<hbm>> -> memref<32768xf32, #tpu.memory_space<hbm>>
    %dma_wait3A_147 = arith.constant 0 : i32
    %dma_wait3A_148 = tpu.memref_slice %arg3[%add3A_131, %dma_wait3A_147] : memref<128x32768xf32, #tpu.memory_space<hbm>> -> memref<1x32768xf32, #tpu.memory_space<hbm>>
    %dma_wait3A_149 = tpu.memref_squeeze %dma_wait3A_148 : memref<1x32768xf32, #tpu.memory_space<hbm>> -> memref<32768xf32, #tpu.memory_space<hbm>>
    tpu.wait_dma2 semaphore(%arg11 : memref<!tpu.dma_semaphore, #tpu.memory_space<semaphore_mem>>) src(%arg5 : memref<32768xf32, #tpu.memory_space<vmem>>) dst(%dma_wait3A_149 : memref<32768xf32, #tpu.memory_space<hbm>>)
    return
  }
}

module attributes {stable_mosaic.version = 14 : i64} {
  func.func @_tc_kern(%arg0: i32, %arg1: memref<16x32768xf32, #tpu.memory_space<vmem>>, %arg2: memref<16x32768xf32, #tpu.memory_space<vmem>>) attributes {dimension_semantics = [#tpu.dimension_semantics<arbitrary>], iteration_bounds = array<i64: 4>, scalar_prefetch = 0 : i64, scratch_operands = 0 : i64, tpu.core_type = #tpu.core_type<tc>, window_params = [{transform_indices = @transform_0, window_bounds = array<i64: 16, 32768>}, {transform_indices = @transform_1, window_bounds = array<i64: 16, 32768>}]} {
    %get3A = arith.constant 0 : index
    %get3A_0 = arith.constant 0 : index
    %get3A_1 = vector.load %arg1[%get3A, %get3A_0] : memref<16x32768xf32, #tpu.memory_space<vmem>>, vector<16x32768xf32>
    %iota3A = tpu.iota {dimensions = array<i32: 1>} : vector<16x32768xi32>
    %eq3A = arith.constant 0 : i32
    %eq3A_2 = vector.broadcast %eq3A : i32 to vector<16x32768xi32>
    %eq3A_3 = arith.cmpi eq, %iota3A, %eq3A_2 : vector<16x32768xi32>
    %jit3A = arith.constant 0xFF800000 : f32
    %broadcast_in_dim3A = vector.broadcast %jit3A : f32 to vector<16x32768xf32>
    %select_n3A = arith.select %eq3A_3, %broadcast_in_dim3A, %get3A_1 : vector<16x32768xi1>, vector<16x32768xf32>
    %reduce_max3A = arith.constant dense<0xFF800000> : vector<16xf32>
    %reduce_max3A_4 = vector.multi_reduction <maximumf>, %select_n3A, %reduce_max3A [1] : vector<16x32768xf32> to vector<16xf32>
    %broadcast_in_dim3A_5 = vector.shape_cast %reduce_max3A_4 : vector<16xf32> to vector<16x1xf32>
    %sub3A = vector.broadcast %broadcast_in_dim3A_5 : vector<16x1xf32> to vector<16x32768xf32>
    %sub3A_6 = arith.subf %select_n3A, %sub3A : vector<16x32768xf32>
    %exp3A = math.exp %sub3A_6 : vector<16x32768xf32>
    %reduce_sum3A = arith.constant dense<0.000000e+00> : vector<16xf32>
    %reduce_sum3A_7 = vector.multi_reduction <add>, %exp3A, %reduce_sum3A [1] : vector<16x32768xf32> to vector<16xf32>
    %broadcast_in_dim3A_8 = vector.shape_cast %reduce_sum3A_7 : vector<16xf32> to vector<16x1xf32>
    %div3A = vector.broadcast %broadcast_in_dim3A_8 : vector<16x1xf32> to vector<16x32768xf32>
    %div3A_9 = arith.divf %exp3A, %div3A : vector<16x32768xf32>
    %swap3A = arith.constant 0 : index
    %swap3A_10 = arith.constant 0 : index
    %swap3A_11 = vector.load %arg2[%swap3A, %swap3A_10] : memref<16x32768xf32, #tpu.memory_space<vmem>>, vector<16x32768xf32>
    tpu.vector_store %arg2[%swap3A, %swap3A_10], %div3A_9 {strides = array<i32>} : memref<16x32768xf32, #tpu.memory_space<vmem>>, vector<16x32768xf32>,
    return
  }
  func.func @transform_0(%arg0: i32) -> (i32, i32) {
    %add3A = arith.constant 4 : i32
    %add3A_0 = arith.addi %add3A, %arg0 : i32
    %c0_i32 = arith.constant 0 : i32
    %c0_i32_1 = arith.constant 0 : i32
    return %add3A_0, %c0_i32 : i32, i32
  }
  func.func @transform_1(%arg0: i32) -> (i32, i32) {
    %c0_i32 = arith.constant 0 : i32
    %c0_i32_0 = arith.constant 0 : i32
    return %arg0, %c0_i32 : i32, i32
  }
}

</mosaic_0001>

<sc_bundles>
// kernel: kernel.4.cloned.1.call-start
scs
__scs_entry_jumppad:
0x0: {  	(pc) =	sbr.rel $0x88, $3  }
0x1: {  	(tag) =	ssettag $0x0;
	lr =	simm.s32 $0x1  }
0x2: {  	[smem:$0x3FA0] =	sst lr;
	_ =	strace $0xD0000000  }
0x3: {  	_ = 	snop  }
0x4: {  	_ = 	snop  }
0x5: {  	_ = 	snop  }
0x6: {  	_ = 	snop  }
0x7: {  	_ = 	snop  }
__scs_overlays_trampoline_lowered:
0x8: {  	[smem:$0x3FAF] =	sst s0  }
0x9: {  	[smem:$0x3FB0] =	sst s1  }
0xa: {  	[smem:$0x3FB1] =	sst s2  }
0xb: {  	[smem:$0x3FB2] =	sst s3  }
0xc: {  	[smem:$0x3FB3] =	sst s4  }
0xd: {  	[smem:$0x3FB4] =	sst s5  }
0xe: {  	[smem:$0x3FB5] =	sst s6  }
0xf: {  	[smem:$0x3FB6] =	sst s7  }
0x10: {  	[smem:$0x3FB7] =	sst s8  }
0x11: {  	[smem:$0x3FB8] =	sst s9;
	s0 =	simm.s32 @!p0 $0x0  }
0x12: {  	s1 =	sld [smem:$0x3F9E];
	s0 =	simm.s32 @p0 $0x1  }
0x13: {  	[smem:$0x3FB9] =	sst s0;
	s0 =	simm.s32 @!p1 $0x0  }
0x14: {  	s2 =	sld [smem:$0x3F9D];
	s0 =	simm.s32 @p1 $0x1  }
0x15: {  	[smem:$0x3FBA] =	sst s0;
	s0 =	simm.s32 @!p2 $0x0  }
0x16: {  	s3 =	sld [smem:$0x3FDB];
	s0 =	simm.s32 @p2 $0x1  }
0x17: {  	s4 =	simm.s32 $0x1BF5;
	[smem:$0x3FBC] =	sst s0  }
0x18: {  	s0 =	sld [smem:$0x3F9F];
	_ =	swait.ge [sflag:s4], $0x0  }
0x19: {  	s7 =	sld [smem:$0x3FA0]  }
0x1a: {  	s8 =	sadd.s32 $0xFFFFE003, lr  }
0x1b: {  	s9 =	sadd.s32 $0xFFFFFEF7, lr;
	s5 =	simm.s32 $0xFFFFFFFF;
	p2 =	slt.u32 s8, $0xFFFFF086  }
0x1c: {  	p1 =	slt.u32 s9, $0xF7A;
	s5 =	simm.s32 @!p2 $0x0  }
0x1d: {  	s5 =	simm.s32 @p1 $0x1;
	p0 =	seq.s32 s7, s2  }
0x1e: {  	s7 =	smul.u32 @!p0 $0xF7A, s2;
	p2 =	seq.s32 @!p0 s5, $0x0  }
0x1f: {  	s9 =	smul.u32 $0xF7A, s1;
	s8 =	simm.s32 @!p0 $0x1BF5;
	p2 =	por !p2, p0  }
0x20: {  	[sflag:s8] =	ssyncset.s32 @!p0 $0xFFFFF086;
	s6 =	sadd.s32 @!p0 s3, s7;
	s7 =	simm.s32 @!p0 $0x108  }
0x21: {  	s3 =	sadd.s32 s3, s9;
	s6 =	sadd.s32 @!p0 $0x88, s6;
	s7 =	simm.s32 @p2 $0x1082  }
0x22: {  	[simem:s7], [sflag:s8] =	dma.local @!p0 [hbm:s6], $0xF7A  }
0x23: {  	s9 =	sor.u32 $0xD0000000, s2;
	s6 =	simm.s32 $0x108;
	_ =	swait.ge @!p0 [sflag:s8], $0x0  }
0x24: {  	s3 =	sadd.s32 $0x88, s3;
	s6 =	simm.s32 @!p1 $0x1082;
	[sflag:s4] =	ssyncset.s32 $0xFFFFF086  }
0x25: {  	[simem:s6], [sflag:s4] =	dma.local [hbm:s3], $0xF7A  }
0x26: {  	[smem:$0x3FA0] =	sst s1;
	(tag) =	ssettag s2;
	_ =	strace s9  }
0x27: {  	s1 =	sld [smem:$0x3FB0]  }
0x28: {  	s2 =	sld [smem:$0x3FB1]  }
0x29: {  	s4 =	sld [smem:$0x3FB3]  }
0x2a: {  	p0 =	seq.s32 s5, $0x0;
	s5 =	sld [smem:$0x3FB4]  }
0x2b: {  	s6 =	sld [smem:$0x3FB5]  }
0x2c: {  	s7 =	sld [smem:$0x3FB6]  }
0x2d: {  	s3 =	simm.s32 $0x108;
	s8 =	sld [smem:$0x3FB7]  }
0x2e: {  	s3 =	simm.s32 @!p0 $0x1082;
	s9 =	sld [smem:$0x3FB8]  }
0x2f: {  	lr =	sadd.s32 s0, s3;
	s0 =	sld [smem:$0x3FAF]  }
0x30: {  	s3 =	sld [smem:$0x3FB2]  }
0x31: {  	[smem:$0x3FBB] =	sst s10  }
0x32: {  	s10 =	sld [smem:$0x3FB9];
	_ =	sdelay $0x3  }
0x33: {  	p0 =	seq.s32 s10, $0x1;
	s10 =	sld [smem:$0x3FBB];
	_ =	sdelay $0x3  }
0x34: {  	[smem:$0x3FBB] =	sst s10  }
0x35: {  	s10 =	sld [smem:$0x3FBA];
	_ =	sdelay $0x3  }
0x36: {  	p1 =	seq.s32 s10, $0x1;
	s10 =	sld [smem:$0x3FBB];
	_ =	sdelay $0x3  }
0x37: {  	[smem:$0x3FBB] =	sst s10  }
0x38: {  	s10 =	sld [smem:$0x3FBC]  }
0x39: {  	_ = 	snop;
	(pc) =	sbr.ind lr, $3  }
0x3a: {  	_ = 	snop  }
0x3b: {  	_ = 	snop  }
0x3c: {  	p2 =	seq.s32 s10, $0x1;
	s10 =	sld [smem:$0x3FBB]  }
0x3d: {  	_ =	shalt  }
0x3e: {  	_ =	shalt  }
0x3f: {  	_ =	shalt  }
0x40: {  	_ =	shalt  }
0x41: {  	_ =	shalt  }
0x42: {  	_ =	shalt  }
0x43: {  	_ =	shalt  }
0x44: {  	_ =	shalt  }
0x45: {  	_ =	shalt  }
0x46: {  	_ =	shalt  }
0x47: {  	_ =	shalt  }
0x48: {  	_ =	shalt  }
0x49: {  	_ =	shalt  }
0x4a: {  	_ =	shalt  }
0x4b: {  	_ =	shalt  }
0x4c: {  	_ =	shalt  }
0x4d: {  	_ =	shalt  }
0x4e: {  	_ =	shalt  }
0x4f: {  	_ =	shalt  }
0x50: {  	_ =	shalt  }
0x51: {  	_ =	shalt  }
0x52: {  	_ =	shalt  }
0x53: {  	_ =	shalt  }
0x54: {  	_ =	shalt  }
0x55: {  	_ =	shalt  }
0x56: {  	_ =	shalt  }
0x57: {  	_ =	shalt  }
0x58: {  	_ =	shalt  }
0x59: {  	_ =	shalt  }
0x5a: {  	_ =	shalt  }
0x5b: {  	_ =	shalt  }
0x5c: {  	_ =	shalt  }
0x5d: {  	_ =	shalt  }
0x5e: {  	_ =	shalt  }
0x5f: {  	_ =	shalt  }
0x60: {  	_ =	shalt  }
0x61: {  	_ =	shalt  }
0x62: {  	_ =	shalt  }
0x63: {  	_ =	shalt  }
0x64: {  	_ =	shalt  }
0x65: {  	_ =	shalt  }
0x66: {  	_ =	shalt  }
0x67: {  	_ =	shalt  }
0x68: {  	_ =	shalt  }
0x69: {  	_ =	shalt  }
0x6a: {  	_ =	shalt  }
0x6b: {  	_ =	shalt  }
0x6c: {  	_ =	shalt  }
0x6d: {  	_ =	shalt  }
0x6e: {  	_ =	shalt  }
0x6f: {  	_ =	shalt  }
0x70: {  	_ =	shalt  }
0x71: {  	_ =	shalt  }
0x72: {  	_ =	shalt  }
0x73: {  	_ =	shalt  }
0x74: {  	_ =	shalt  }
0x75: {  	_ =	shalt  }
0x76: {  	_ =	shalt  }
0x77: {  	_ =	shalt  }
0x78: {  	_ =	shalt  }
0x79: {  	_ =	shalt  }
0x7a: {  	_ =	shalt  }
0x7b: {  	_ =	shalt  }
0x7c: {  	_ =	shalt  }
0x7d: {  	_ =	shalt  }
0x7e: {  	_ =	shalt  }
0x7f: {  	_ =	shalt  }
0x80: {  	_ =	shalt  }
0x81: {  	_ =	shalt  }
0x82: {  	_ =	shalt  }
0x83: {  	_ =	shalt  }
0x84: {  	_ =	shalt  }
0x85: {  	_ =	shalt  }
0x86: {  	_ =	shalt  }
0x87: {  	_ =	shalt  }
.Lfunc_end0:
.L_simem_size_0:
called_computation_lowered:
.L_overlay_start_0:
0x88: {  	s2 =	sld [smem:$0x3FD9]  }
0x89: {  	s3 =	sld [smem:$0x3FFE];
	_ =	sdelay $0x1  }
0x8a: {  	s1 =	srdreg.scid  }
0x8b: {  	s0 =	sand.u32 $0x1, s1  }
0x8c: {  	s18 =	sshll.u32 s0, $0xA;
	s2 =	sadd.s32 s3, s2  }
0x8d: {  	s2 =	sadd.s32 s2, s18  }
0x8e: {  	[smem:$0x3FC7] =	sst s2  }
0x8f: {  	_ = 	snop  }
0x90: {  	s2 =	sld [smem:$0x3FC9]  }
0x91: {  	s19 =	sld [smem:$0x3FD0];
	(tm) =	ssettm $0x1  }
0x92: {  	s4 =	sld [smem:$0x3FFB];
	_ =	sdelay $0x3  }
0x93: {  	_ =	strace s4  }
0x94: {  	s4 =	sld [smem:$0x3FFC];
	_ =	sdelay $0x3  }
0x95: {  	_ =	strace s4  }
0x96: {  	s4 =	sld [smem:$0x3FFD];
	_ =	sdelay $0x3  }
0x97: {  	_ =	strace s4  }
0x98: {  	_ =	strace $0x8FFFFFFF  }
0x99: {  	s20 =	sld [smem:$0x3FDB];
	_ =	sdelay $0x1  }
0x9a: {  	s5 =	simm.s32 $_scs_section_size  }
0x9b: {  	s6 =	simm.s32 $_size__tile_overlayer_lowered;
	s7 =	simm.s32 $_tile_overlayer_lowered  }
0x9c: {  	s23 =	simm.s32 $0x1BFF;
	s22 =	sshll.u32 s7, $0x1;
	s4 =	sadd.s32 s5, s20  }
0x9d: {  	s8 =	simm.s32 $0x0;
	s21 =	sshll.u32 s6, $0x1;
	s6 =	sadd.s32 s22, s4  }
0x9e: {  	[timem:s8], [sflag:s23] =	dma.local [hbm:s6], s21  }
0x9f: {  	_ =	swait.ge [sflag:s23], s21  }
0xa0: {  	s5 =	ssub.s32 $0x0, s21;
	[sflag:s23] =	ssyncset.done $0x0  }
0xa1: {  	[sflag:s23] =	ssyncadd.s32 s5;
	_ =	sdelay $0x1  }
0xa2: {  	s24 =	simm.s32 $0x1B8B  }
0xa3: {  	_ =	swait.ge [sflag:s24], $0x1  }
0xa4: {  	[sflag:s24] =	ssyncset.done $0x0  }
0xa5: {  	s25 =	simm.s32 $0x1B8E;
	[sflag:s24] =	ssyncadd.s32 $0xFFFFFFFF  }
0xa6: {  	s26 =	simm.s32 $execute0_lowered;
	[smem:$0x3FD2] =	sst s25  }
0xa7: {  	s5 =	sshll.u32 s26, $0x1;
	_ =	strace $0x80000046;
	[dreg:$0x1] =	wrdreg $0xFFFFFFFF  }
0xa8: {  	s28 =	simm.s32 $_size_execute0_lowered;
	s4 =	sadd.s32 s4, s5;
	[dreg:$0x0] =	wrdreg $0x0  }
0xa9: {  	s5 =	sshll.u32 s28, $0x1;
	[dreg:$0x2] =	wrdreg s4  }
0xaa: {  	[dreg:$0x3] =	wrdreg s5  }
0xab: {  	[dreg:$0x4] =	wrdreg $0xC0  }
0xac: {  	_ =	task [dreg:s8], $0x5FFFF  }
0xad: {  	[dreg:$0x1] =	wrdreg $0xFFFFFFFF  }
0xae: {  	[dreg:$0x0] =	wrdreg $0x60  }
0xaf: {  	[dreg:$0x2] =	wrdreg s2  }
0xb0: {  	[dreg:$0x3] =	wrdreg s19  }
0xb1: {  	[dreg:$0x4] =	wrdreg $0x9  }
0xb2: {  	_ =	task.clear_ibuf [dreg:s8], $0x5FFFF;
	_ =	strace $0x90000046  }
0xb3: {  	s29 =	simm.s32 $0x9;
	_ =	strace $0x80000048  }
0xb4: {  	_ =	swait.ge [sflag:s29], $0x1  }
0xb5: {  	[sflag:s29] =	ssyncadd.s32 $0xFFFFFFFF  }
0xb6: {  	_ =	strace $0x90000048  }
0xb7: {  	_ =	sfence  }
0xb8: {  	s30 =	sld [smem:$0x0];
	_ =	sdelay $0x2  }
0xb9: {  	s31 =	sshll.u32 s1, $0xD;
	s1 =	sshrl.u32 s1, $0x2  }
0xba: {  	s3 =	sand.u32 $0x4000, s31;
	s1 =	sadd.s32 s1, s30  }
0xbb: {  	s0 =	sor.u32 s3, s0;
	s1 =	sshll.u32 s1, $0x11  }
0xbc: {  	s0 =	sor.u32 s1, s0  }
0xbd: {  	s0 =	sadd.s32 $0x8F2B, s0  }
0xbe: {  	[sflag:s0] =	ssyncadd.remote.s32 $0x1  }
0xbf: {  	_ =	sfence.sel $0xFFFF  }
0xc0: {  	[dreg:$0x0] =	wrdreg $0xFFFFFFFF;
	(pc) =	sbr.abs _section_cstart, $3  }
0xc1: {  	[dreg:$0x1] =	wrdreg $0xFFFFFFFF  }
0xc2: {  	_ =	task.clear_ibuf [dreg:s8], $0x2FFFF;
	_ =	strace $0x9FFFFFFF  }
0xc3: {  	(tm) =	ssettm $0x7FFFFFFF  }
tec
execute0_lowered:
.L_overlay_start_1:
0x0: {  	(tag) =	ssettag $0x1  }
0x1: {  	s4 =	rddreg [dreg:$0x0]  }
0x2: {  	s6 =	rddreg [dreg:$0x1]  }
0x3: {  	s0 =	rddreg [dreg:$0x2]  }
0x4: {  	s2 =	simm.s32 $0x0;
	s3 =	srdreg.scid;
	s1 =	stileid.u32  }
0x5: {  	s9 =	simm.s32 $0x400;
	s10 =	simm.s32 $0x8000;
	s11 =	simm.s32 $0x1  }
0x6: {  	s12 =	simm.s32 $0x2;
	s13 =	simm.s32 $0x3;
	s14 =	simm.s32 $0x4  }
0x7: {  	s15 =	simm.s32 $0x0;
	s3 =	sand.u32 $0x1, s3;
	s5 =	sshll.u32 s1, $0x6  }
0x8: {  	s8 =	sshll.u32 s1, $0xE;
	s7 =	sshll.u32 s3, $0x5;
	s5 =	sand.u32 $0x40, s5  }
0x9: {  	s3 =	ssub.s32 $0x2, s3;
	s8 =	sand.u32 $0x38000, s8;
	s5 =	sor.u32 s7, s5  }
0xa: {  	[smem:$0x7FF] =	sst s2;
	s31 =	sshrl.u32 s3, $0x1;
	s5 =	sor.u32 s8, s5  }
0xb: {  	_ =	strace $0x80000047;
	s7 =	ssub.s32 s3, s31;
	s3 =	sadd.s32 s4, s5  }
0xc: {  	s8 =	sor.u32 $0x10, s5;
	s5 =	sadd.s32 s6, s5;
	s7 =	smax.u32 s7, $0x1  }
0xd: {  	v0 =	vlaneseq.u32;
	s4 =	sadd.s32 s4, s8;
	s6 =	sadd.s32 s6, s8;
	s8 =	simm.s32 $0x80  }
.LBB2_1:
0xe: {  	[tilespmem:s2], [sflag:$0x1] =	stream.strided.gather [hbm4b:s3+s8], $0x8000, s9, s8, $0x38;
	[tilespmem:$0x10000] =	vst v63  }
0xf: {  	_ = 	snop  }
0x10: {  	[tilespmem:s10], [sflag:$0x2] =	stream.strided.gather [hbm4b:s4+s8], $0x8000, s9, s8, $0x38;
	[tilespmem:$0x10000] =	vst v63  }
0x11: {  	_ =	swait.ge [sflag:s11], $0x8000  }
0x12: {  	[sflag:s11] =	ssyncset.done $0x0  }
0x13: {  	[sflag:s11] =	ssyncadd.s32 $0xFFFF8000  }
0x14: {  	v1 =	vld [tilespmem:$0x0];
	_ =	sdelay $0x3  }
0x15: {  	vm0 =	veq.s32 v0, $0x0  }
0x16: {  	v1 =	vsel vm0, $0xFF800000, v1  }
0x17: {  	s16 =	simm.s32 $0x100;
	[tilespmem:$0x0] =	vst v1  }
0x18: {  	v1 =	vld [tilespmem:s16+$0x70]  }
0x19: {  	v2 =	vld [tilespmem:s16+$0xFFFFFF30]  }
0x1a: {  	v3 =	vld [tilespmem:s16+$0xFFFFFF40]  }
0x1b: {  	v4 =	vld [tilespmem:s16+$0xB0]  }
0x1c: {  	v5 =	vld [tilespmem:s16+$0xFFFFFF50]  }
0x1d: {  	v6 =	vld [tilespmem:s16+$0xC0]  }
0x1e: {  	v7 =	vld [tilespmem:s16+$0xFFFFFF60]  }
0x1f: {  	v8 =	vld [tilespmem:s16+$0xFFFFFF70]  }
0x20: {  	v9 =	vld [tilespmem:s16+$0xFFFFFFD0]  }
0x21: {  	v10 =	vld [tilespmem:s16+$0xFFFFFFF0];
	v1 =	vmul.f32 $1.442695020e+00, v1  }
0x22: {  	v11 =	vld [tilespmem:s16+$0x60];
	v4 =	vmul.f32 $1.442695020e+00, v4  }
0x23: {  	v12 =	vld [tilespmem:s16+$0xFFFFFF20];
	v7 =	vmul.f32 $1.442695020e+00, v7;
	(erf) = vpow2.f32 v1  }
0x24: {  	v8 =	vmul.f32 $1.442695020e+00, v8;
	(erf) = vpow2.f32 v4;
	v4 =	vld [tilespmem:s16+$0x80]  }
0x25: {  	v13 =	vmul.f32 $1.442695020e+00, v5;
	v1 =	vmul.f32 $1.442695020e+00, v6;
	v6 =	vld [tilespmem:s16+$0x0]  }
0x26: {  	v15 =	vld [tilespmem:s16+$0xFFFFFFB0];
	v14 =	vmul.f32 $1.442695020e+00, v3;
	v10 =	vmul.f32 $1.442695020e+00, v10  }
0x27: {  	v3 =	vmul.f32 $1.442695020e+00, v2;
	v2 =	vmul.f32 $1.442695020e+00, v11;
	v11 =	vld [tilespmem:s16+$0xFFFFFF90]  }
0x28: {  	v9 =	vmul.f32 $1.442695020e+00, v9;
	v17 =	vmul.f32 $1.442695020e+00, v12;
	v12 =	vld [tilespmem:s16+$0xF0]  }
0x29: {  	(erf) = vpow2.f32 v10;
	v10 =	vld [tilespmem:s16+$0xFFFFFFE0];
	v4 =	vmul.f32 $1.442695020e+00, v4  }
0x2a: {  	v16 =	vld [tilespmem:s16+$0xFFFFFFC0];
	(erf) = vpow2.f32 v2;
	v6 =	vmul.f32 $1.442695020e+00, v6  }
0x2b: {  	v5 =	vld [tilespmem:s16+$0xFFFFFF10];
	v15 =	vmul.f32 $1.442695020e+00, v15;
	(erf) = vpow2.f32 v4  }
0x2c: {  	v19 =	vmul.f32 $1.442695020e+00, v11;
	(erf) = vpow2.f32 v6;
	v6 =	vld [tilespmem:s16+$0x50]  }
0x2d: {  	v11 =	vmul.f32 $1.442695020e+00, v12;
	(erf) = vpow2.f32 v9;
	v9 =	vld [tilespmem:s16+$0xE0]  }
0x2e: {  	v10 =	vmul.f32 $1.442695020e+00, v10;
	(erf) = vpow2.f32 v8;
	v8 =	vld [tilespmem:s16+$0xFFFFFFA0]  }
0x2f: {  	(erf) = vpow2.f32 v7;
	v7 =	vmul.f32 $1.442695020e+00, v16;
	v16 =	vld [tilespmem:s16+$0xFFFFFF00]  }
0x30: {  	v4 =	vmul.f32 $1.442695020e+00, v5;
	v5 =	vpop (erf);
	(erf) = vpow2.f32 v13;
	v13 =	vld [tilespmem:s16+$0xD0]  }
0x31: {  	v2 =	vpop (erf);
	(erf) = vpow2.f32 v10;
	v23 =	vmul.f32 $1.442695020e+00, v6;
	v6 =	vld [tilespmem:s16+$0xFFFFFF80]  }
0x32: {  	[tilespmem:s16+$0x70] =	vst v5;
	v21 =	vpop (erf);
	(erf) = vpow2.f32 v14;
	v22 =	vmul.f32 $1.442695020e+00, v9;
	v9 =	vld [tilespmem:s16+$0x20]  }
0x33: {  	[tilespmem:s16+$0xB0] =	vst v2;
	v12 =	vpop (erf);
	(erf) = vpow2.f32 v11;
	v8 =	vmul.f32 $1.442695020e+00, v8  }
0x34: {  	[tilespmem:s16+$0xFFFFFFF0] =	vst v21;
	(erf) = vpow2.f32 v7;
	v11 =	vpop (erf);
	v7 =	vmul.f32 $1.442695020e+00, v16  }
0x35: {  	v28 =	vld [tilespmem:s16+$0x10];
	[tilespmem:s16+$0x60] =	vst v12;
	v14 =	vimm.f32 $0.0e+00;
	(erf) = vpow2.f32 v17;
	v17 =	vpop (erf);
	v24 =	vmul.f32 $1.442695020e+00, v13  }
0x36: {  	v18 =	vld [tilespmem:s16+$0x90];
	v16 =	vimm.f32 $0.0e+00;
	[tilespmem:s16+$0x80] =	vst v11;
	(erf) = vpow2.f32 v15;
	v20 =	vpop (erf);
	v29 =	vmul.f32 $1.442695020e+00, v6  }
0x37: {  	v26 =	vld [tilespmem:s16+$0x40];
	[tilespmem:s16+$0x0] =	vst v17;
	v6 =	vimm.f32 $0.0e+00;
	(erf) = vpow2.f32 v7;
	v10 =	vpop (erf);
	v25 =	vmul.f32 $1.442695020e+00, v9  }
0x38: {  	v30 =	vld [tilespmem:s16+$0x30];
	[tilespmem:s16+$0xFFFFFFD0] =	vst v20;
	v7 =	vimm.f32 $0.0e+00;
	v9 =	vimm.f32 $0.0e+00;
	v13 =	vadd.f32 v10, v16  }
0x39: {  	s17 =	simm.s32 $0x0;
	s18 =	simm.s32 $0x300;
	v27 =	vld [tilespmem:s16+$0xA0];
	(erf) = vpow2.f32 v8;
	v8 =	vimm.f32 $0.0e+00;
	[tilespmem:s16+$0xFFFFFF70] =	vst v10;
	v15 =	vpop (erf);
	v10 =	vimm.f32 $0.0e+00  }
.LBB2_2:
0x3a: {  	v31 =	vld [tilespmem:s18+$0x70];
	s17 =	sadd.s32 $0x200, s17;
	v32 =	vpop (erf);
	(erf) = vpow2.f32 v23  }
0x3b: {  	v23 =	vld [tilespmem:s18+$0xFFFFFFB0];
	p0 =	slt.u32 s17, $0x7E00;
	[tilespmem:s16+$0xFFFFFF50] =	vst v32;
	v13 =	vadd.f32 v21, v13;
	v34 =	vmul.f32 $1.442695020e+00, v28;
	(erf) = vpow2.f32 v29;
	v28 =	vpop (erf)  }
0x3c: {  	v29 =	vld [tilespmem:s18+$0xFFFFFF10];
	[tilespmem:s16+$0xFFFFFFE0] =	vst v28;
	v26 =	vmul.f32 $1.442695020e+00, v26;
	v33 =	vpop (erf);
	(erf) = vpow2.f32 v19  }
0x3d: {  	v19 =	vld [tilespmem:s18+$0xFFFFFF20];
	v30 =	vmul.f32 $1.442695020e+00, v30;
	v36 =	vadd.f32 v5, v13;
	(erf) = vpow2.f32 v34;
	v21 =	vpop (erf)  }
0x3e: {  	v34 =	vld [tilespmem:s18+$0xFFFFFF30];
	v27 =	vmul.f32 $1.442695020e+00, v27;
	v35 =	vpop (erf);
	(erf) = vpow2.f32 v22  }
0x3f: {  	v22 =	vld [tilespmem:s18+$0xFFFFFF40];
	v31 =	vmul.f32 $1.442695020e+00, v31;
	[tilespmem:s16+$0xFFFFFFC0] =	vst v35;
	v13 =	vadd.f32 v21, v36;
	v5 =	vpop (erf);
	(erf) = vpow2.f32 v24  }
0x40: {  	v6 =	vadd.f32 v15, v6;
	v24 =	vld [tilespmem:s18+$0xB0];
	[tilespmem:s16+$0xFFFFFF20] =	vst v5;
	v5 =	vadd.f32 v5, v16;
	v16 =	vpop (erf);
	(erf) = vpow2.f32 v25  }
0x41: {  	v8 =	vadd.f32 v32, v8;
	v25 =	vld [tilespmem:s18+$0xFFFFFF50];
	[tilespmem:s16+$0xFFFFFFB0] =	vst v16;
	v32 =	vpop (erf);
	(erf) = vpow2.f32 v3  }
0x42: {  	v6 =	vadd.f32 v28, v6;
	v3 =	vld [tilespmem:s18+$0xC0];
	[tilespmem:s16+$0xFFFFFF00] =	vst v32;
	v7 =	vadd.f32 v32, v7;
	v28 =	vpop (erf);
	(erf) = vpow2.f32 v30  }
0x43: {  	v14 =	vadd.f32 v33, v14;
	v8 =	vadd.f32 v20, v8;
	v30 =	vld [tilespmem:s18+$0xFFFFFF60];
	[tilespmem:s16+$0xFFFFFFA0] =	vst v28;
	(erf) = vpow2.f32 v26;
	v20 =	vpop (erf)  }
0x44: {  	v6 =	vadd.f32 v12, v6;
	v5 =	vadd.f32 v28, v5;
	v26 =	vld [tilespmem:s18+$0xFFFFFF70];
	[tilespmem:s16+$0x50] =	vst v20;
	(erf) = vpow2.f32 v4;
	v4 =	vpop (erf)  }
0x45: {  	v14 =	vadd.f32 v35, v14;
	v12 =	vld [tilespmem:s18+$0xFFFFFFE0];
	(erf) = vpow2.f32 v31;
	[tilespmem:s16+$0xFFFFFF80] =	vst v4;
	v4 =	vadd.f32 v4, v7;
	v28 =	vpop (erf)  }
0x46: {  	v8 =	vadd.f32 v20, v8;
	v7 =	vmul.f32 $1.442695020e+00, v24;
	v31 =	vld [tilespmem:s18+$0xFFFFFFD0];
	[tilespmem:s16+$0xFFFFFF90] =	vst v28;
	v20 =	vpop (erf);
	(erf) = vpow2.f32 v27  }
0x47: {  	v24 =	vld [tilespmem:s18+$0x0];
	[tilespmem:s16+$0xFFFFFF60] =	vst v15;
	v4 =	vadd.f32 v17, v4;
	(erf) = vpow2.f32 v1;
	v1 =	vmul.f32 $1.442695020e+00, v3;
	v3 =	vpop (erf)  }
0x48: {  	v17 =	vmul.f32 $1.442695020e+00, v18;
	v15 =	vld [tilespmem:s18+$0xFFFFFFF0];
	(erf) = vpow2.f32 v7;
	[tilespmem:s16+$0xE0] =	vst v3;
	v6 =	vadd.f32 v3, v6;
	v18 =	vpop (erf)  }
0x49: {  	v27 =	vmul.f32 $1.442695020e+00, v30;
	v26 =	vmul.f32 $1.442695020e+00, v26;
	v30 =	vld [tilespmem:s18+$0x80];
	v7 =	vadd.f32 v11, v4;
	[tilespmem:s16+$0xD0] =	vst v18;
	v3 =	vpop (erf)  }
0x4a: {  	v11 =	vmul.f32 $1.442695020e+00, v25;
	v25 =	vld [tilespmem:s18+$0x60];
	[tilespmem:s16+$0xFFFFFF40] =	vst v33;
	v32 =	vadd.f32 v3, v5;
	v33 =	vpop (erf);
	(erf) = vpow2.f32 v17  }
0x4b: {  	v17 =	vmul.f32 $1.442695020e+00, v22;
	v22 =	vld [tilespmem:s18+$0xFFFFFF90];
	v31 =	vmul.f32 $1.442695020e+00, v31;
	v10 =	vadd.f32 v33, v10;
	[tilespmem:s16+$0x20] =	vst v3;
	v35 =	vpop (erf)  }
0x4c: {  	v8 =	vadd.f32 v18, v8;
	v3 =	vmul.f32 $1.442695020e+00, v34;
	v34 =	vld [tilespmem:s18+$0xFFFFFFC0];
	v24 =	vmul.f32 $1.442695020e+00, v24;
	[tilespmem:s16+$0xF0] =	vst v21;
	v18 =	vpop (erf)  }
0x4d: {  	v36 =	vmul.f32 $1.442695020e+00, v19;
	v39 =	vmul.f32 $1.442695020e+00, v15;
	v21 =	vld [tilespmem:s18+$0x50];
	[tilespmem:s16+$0x30] =	vst v35;
	v14 =	vadd.f32 v18, v14;
	v37 =	vpop (erf)  }
0x4e: {  	v4 =	vmul.f32 $1.442695020e+00, v29;
	v29 =	vmul.f32 $1.442695020e+00, v30;
	v30 =	vld [tilespmem:s18+$0xF0];
	v5 =	vpop (erf);
	v9 =	vadd.f32 v37, v9;
	[tilespmem:s16+$0xFFFFFF30] =	vst v33  }
0x4f: {  	v10 =	vadd.f32 v16, v10;
	v33 =	vmul.f32 $1.442695020e+00, v23;
	v23 =	vmul.f32 $1.442695020e+00, v25;
	[tilespmem:s18+$0x70] =	vst v5;
	v25 =	vld [tilespmem:s18+$0xE0];
	v16 =	vpop (erf)  }
0x50: {  	v19 =	vmul.f32 $1.442695020e+00, v22;
	v38 =	vld [tilespmem:s18+$0xFFFFFFA0];
	(erf) = vpow2.f32 v39;
	v9 =	vadd.f32 v28, v9;
	[tilespmem:s16+$0xA0] =	vst v16;
	v15 =	vpop (erf)  }
0x51: {  	v16 =	vadd.f32 v16, v32;
	v28 =	vmul.f32 $1.442695020e+00, v34;
	(erf) = vpow2.f32 v23;
	v34 =	vpop (erf);
	[tilespmem:s16+$0xFFFFFF10] =	vst v37  }
0x52: {  	v14 =	vadd.f32 v15, v14;
	v23 =	vmul.f32 $1.442695020e+00, v21;
	(erf) = vpow2.f32 v29;
	[tilespmem:s16+$0xC0] =	vst v15  }
0x53: {  	v10 =	vadd.f32 v35, v10;
	v15 =	vld [tilespmem:s18+$0xFFFFFF00];
	v29 =	vmul.f32 $1.442695020e+00, v30;
	(erf) = vpow2.f32 v24;
	[tilespmem:s16+$0x40] =	vst v18;
	v18 =	vpop (erf)  }
0x54: {  	v9 =	vadd.f32 v20, v9;
	v22 =	vmul.f32 $1.442695020e+00, v25;
	(erf) = vpow2.f32 v31;
	[tilespmem:s16+$0x90] =	vst v18  }
0x55: {  	v10 =	vadd.f32 v2, v10;
	v2 =	vmovc v34;
	v31 =	vmul.f32 $1.442695020e+00, v38;
	(erf) = vpow2.f32 v26;
	[tilespmem:s16+$0x10] =	vst v20;
	s16 =	smov.u32 s18  }
0x56: {  	v12 =	vmul.f32 $1.442695020e+00, v12;
	v9 =	vadd.f32 v18, v9;
	[tilespmem:s18+$0xB0] =	vst v2;
	v20 =	vld [tilespmem:s18+$0xD0];
	(erf) = vpow2.f32 v27  }
0x57: {  	v25 =	vld [tilespmem:s18+$0xFFFFFF80];
	(erf) = vpow2.f32 v11  }
0x58: {  	v15 =	vmul.f32 $1.442695020e+00, v15;
	(erf) = vpow2.f32 v12  }
0x59: {  	v27 =	vld [tilespmem:s18+$0x20];
	(erf) = vpow2.f32 v17;
	v21 =	vpop (erf)  }
0x5a: {  	[tilespmem:s18+$0xFFFFFFF0] =	vst v21;
	v12 =	vpop (erf);
	(erf) = vpow2.f32 v29  }
.Ltmp0:
0x5b: {  	[tilespmem:s18+$0x60] =	vst v12;
	v18 =	vld [tilespmem:s18+$0x90];
	v24 =	vmul.f32 $1.442695020e+00, v20;
	(erf) = vpow2.f32 v28;
	v11 =	vpop (erf);
	(pc) =	sbr.rel @p0 .LBB2_2-.Ltmp0, $4  }
0x5c: {  	v29 =	vmul.f32 $1.442695020e+00, v25;
	v28 =	vld [tilespmem:s18+$0x10];
	[tilespmem:s18+$0x80] =	vst v11;
	(erf) = vpow2.f32 v36;
	v17 =	vpop (erf)  }
0x5d: {  	[tilespmem:s18+$0x0] =	vst v17;
	v26 =	vld [tilespmem:s18+$0x40];
	(erf) = vpow2.f32 v33;
	v20 =	vpop (erf)  }
0x5e: {  	[tilespmem:s18+$0xFFFFFFD0] =	vst v20;
	v25 =	vmul.f32 $1.442695020e+00, v27;
	v30 =	vld [tilespmem:s18+$0x30];
	(erf) = vpow2.f32 v15;
	v15 =	vpop (erf)  }
0x5f: {  	s18 =	sadd.s32 $0x200, s18;
	[tilespmem:s16+$0xFFFFFF70] =	vst v15;
	v13 =	vadd.f32 v15, v13;
	v27 =	vld [tilespmem:s16+$0xA0];
	v15 =	vpop (erf);
	(erf) = vpow2.f32 v31  }
0x60: {  	v31 =	vpop (erf);
	(erf) = vpow2.f32 v23  }
0x61: {  	v49 =	vmul.f32 $1.442695020e+00, v28;
	(erf) = vpow2.f32 v29;
	v50 =	vpop (erf)  }
0x62: {  	v51 =	vpop (erf);
	(erf) = vpow2.f32 v19  }
0x63: {  	(erf) = vpow2.f32 v49;
	v52 =	vpop (erf)  }
0x64: {  	v53 =	vpop (erf);
	(erf) = vpow2.f32 v22  }
0x65: {  	v54 =	vpop (erf);
	(erf) = vpow2.f32 v24  }
0x66: {  	v55 =	vmul.f32 $1.442695020e+00, v30;
	v56 =	vpop (erf);
	(erf) = vpow2.f32 v25  }
0x67: {  	v57 =	vmul.f32 $1.442695020e+00, v26;
	v58 =	vpop (erf);
	(erf) = vpow2.f32 v3  }
0x68: {  	v3 =	vpop (erf);
	(erf) = vpow2.f32 v55  }
0x69: {  	(erf) = vpow2.f32 v57;
	v59 =	vpop (erf)  }
0x6a: {  	(erf) = vpow2.f32 v4;
	v4 =	vpop (erf)  }
0x6b: {  	v60 =	vpop (erf)  }
0x6c: {  	v27 =	vmul.f32 $1.442695020e+00, v27;
	v32 =	vpop (erf)  }
0x6d: {  	v33 =	vpop (erf)  }
0x6e: {  	v18 =	vmul.f32 $1.442695020e+00, v18;
	(erf) = vpow2.f32 v27;
	v61 =	vpop (erf)  }
0x6f: {  	(erf) = vpow2.f32 v1;
	v1 =	vpop (erf)  }
0x70: {  	(erf) = vpow2.f32 v18;
	v34 =	vpop (erf)  }
0x71: {  	v62 =	vpop (erf)  }
0x72: {  	v35 =	vpop (erf)  }
0x73: {  	v7 =	vadd.f32 v58, v7;
	v36 =	vpop (erf)  }
0x74: {  	v9 =	vadd.f32 v36, v9  }
0x75: {  	v7 =	vadd.f32 v4, v7;
	v10 =	vadd.f32 v34, v10  }
0x76: {  	v16 =	vadd.f32 v54, v16;
	v9 =	vadd.f32 v60, v9  }
0x77: {  	v7 =	vadd.f32 v17, v7;
	v10 =	vadd.f32 v56, v10;
	v63 =	vpop (erf)  }
0x78: {  	v16 =	vadd.f32 v3, v16;
	v37 =	vpop (erf);
	v9 =	vadd.f32 v32, v9  }
0x79: {  	v7 =	vadd.f32 v11, v7;
	v10 =	vadd.f32 v62, v10;
	v11 =	vpop (erf)  }
0x7a: {  	v16 =	vadd.f32 v1, v16;
	v9 =	vadd.f32 v11, v9  }
0x7b: {  	v2 =	vadd.f32 v2, v10;
	v10 =	vadd.f32 v51, v14  }
0x7c: {  	v7 =	vadd.f32 v9, v7;
	v9 =	vadd.f32 v63, v16  }
0x7d: {  	v8 =	vadd.f32 v31, v8;
	v10 =	vadd.f32 v53, v10  }
0x7e: {  	v6 =	vadd.f32 v15, v6;
	v7 =	vadd.f32 v9, v7  }
0x7f: {  	v8 =	vadd.f32 v20, v8;
	v9 =	vadd.f32 v35, v10  }
0x80: {  	v6 =	vadd.f32 v50, v6;
	v2 =	vadd.f32 v2, v7  }
0x81: {  	v7 =	vadd.f32 v59, v8;
	v8 =	vadd.f32 v37, v9  }
0x82: {  	v6 =	vadd.f32 v12, v6;
	v9 =	vadd.f32 v21, v13  }
0x83: {  	v7 =	vadd.f32 v61, v7;
	v2 =	vadd.f32 v8, v2  }
0x84: {  	v6 =	vadd.f32 v33, v6  }
0x85: {  	[tilespmem:s16+$0xFFFFFF60] =	vst v15;
	v5 =	vadd.f32 v5, v9;
	v2 =	vadd.f32 v7, v2  }
0x86: {  	[tilespmem:s16+$0xFFFFFF50] =	vst v31  }
0x87: {  	[tilespmem:s16+$0xFFFFFFE0] =	vst v50;
	v5 =	vadd.f32 v52, v5;
	v2 =	vadd.f32 v6, v2  }
0x88: {  	[tilespmem:s16+$0xFFFFFF40] =	vst v51  }
0x89: {  	[tilespmem:s16+$0xF0] =	vst v52;
	v2 =	vadd.f32 v5, v2  }
0x8a: {  	[tilespmem:s16+$0xFFFFFFC0] =	vst v53  }
0x8b: {  	[tilespmem:s16+$0xFFFFFF20] =	vst v54;
	(xrf2) =	vadd.scan.msk.f32 $0xffff, v2  }
0x8c: {  	[tilespmem:s16+$0xFFFFFFB0] =	vst v56  }
0x8d: {  	[tilespmem:s16+$0xFFFFFF00] =	vst v58  }
0x8e: {  	[tilespmem:s16+$0xFFFFFFA0] =	vst v3  }
0x8f: {  	[tilespmem:s16+$0x50] =	vst v59  }
0x90: {  	[tilespmem:s16+$0xFFFFFF80] =	vst v4  }
0x91: {  	[tilespmem:s16+$0xFFFFFF90] =	vst v60  }
0x92: {  	[tilespmem:s16+$0x10] =	vst v32  }
0x93: {  	[tilespmem:s16+$0xE0] =	vst v33  }
0x94: {  	[tilespmem:s16+$0xD0] =	vst v61  }
0x95: {  	[tilespmem:s16+$0x20] =	vst v1;
	v1, _, _ =	vpop (xrf2)  }
0x96: {  	[tilespmem:s16+$0xFFFFFF30] =	vst v34;
	v1 =	vbroadcast v1, $0xF  }
0x97: {  	[tilespmem:s16+$0x30] =	vst v62  }
0x98: {  	[tilespmem:s16+$0x40] =	vst v35;
	(erf) = vrcp.f32 v1  }
0x99: {  	[tilespmem:s16+$0xFFFFFF10] =	vst v36  }
0x9a: {  	[tilespmem:s16+$0xA0] =	vst v63  }
0x9b: {  	[tilespmem:s16+$0xC0] =	vst v37  }
0x9c: {  	[tilespmem:s16+$0x90] =	vst v11;
	s16 =	simm.s32 $0x100  }
0x9d: {  	v2 =	vld [tilespmem:s16+$0xF0]  }
0x9e: {  	v3 =	vld [tilespmem:s16+$0xFFFFFF10]  }
0x9f: {  	v4 =	vld [tilespmem:s16+$0xFFFFFF20]  }
0xa0: {  	v8 =	vld [tilespmem:s16+$0xFFFFFF60]  }
0xa1: {  	v9 =	vld [tilespmem:s16+$0xFFFFFF70];
	v1 =	vpop (erf)  }
0xa2: {  	v5 =	vld [tilespmem:s16+$0xFFFFFF30];
	v2 =	vmul.f32 v2, v1  }
0xa3: {  	v6 =	vld [tilespmem:s16+$0xFFFFFF40];
	v3 =	vmul.f32 v3, v1  }
0xa4: {  	v7 =	vld [tilespmem:s16+$0xFFFFFF50];
	v4 =	vmul.f32 v4, v1;
	[tilespmem:s16+$0xF0] =	vst v2  }
0xa5: {  	v10 =	vld [tilespmem:s16+$0xFFFFFF80];
	v8 =	vmul.f32 v8, v1;
	[tilespmem:s16+$0xFFFFFF10] =	vst v3  }
0xa6: {  	v9 =	vmul.f32 v9, v1;
	v2 =	vld [tilespmem:s16+$0xFFFFFF90];
	[tilespmem:s16+$0xFFFFFF20] =	vst v4  }
0xa7: {  	v3 =	vmul.f32 v5, v1;
	v5 =	vld [tilespmem:s16+$0xFFFFFFA0];
	[tilespmem:s16+$0xFFFFFF60] =	vst v8  }
0xa8: {  	v4 =	vmul.f32 v6, v1;
	v6 =	vld [tilespmem:s16+$0xFFFFFFB0];
	[tilespmem:s16+$0xFFFFFF70] =	vst v9  }
0xa9: {  	[tilespmem:s16+$0xFFFFFF30] =	vst v3;
	v3 =	vmul.f32 v7, v1;
	v7 =	vld [tilespmem:s16+$0xFFFFFFC0]  }
0xaa: {  	[tilespmem:s16+$0xFFFFFF40] =	vst v4;
	v4 =	vmul.f32 v10, v1;
	v10 =	vld [tilespmem:s16+$0xFFFFFFD0]  }
0xab: {  	[tilespmem:s16+$0xFFFFFF50] =	vst v3;
	v3 =	vld [tilespmem:s16+$0xFFFFFFE0];
	v2 =	vmul.f32 v2, v1  }
0xac: {  	[tilespmem:s16+$0xFFFFFF80] =	vst v4;
	v4 =	vld [tilespmem:s16+$0xFFFFFFF0];
	v5 =	vmul.f32 v5, v1  }
0xad: {  	v8 =	vld [tilespmem:s16+$0x0];
	[tilespmem:s16+$0xFFFFFF90] =	vst v2;
	v2 =	vmul.f32 v6, v1  }
0xae: {  	v6 =	vld [tilespmem:s16+$0x10];
	[tilespmem:s16+$0xFFFFFFA0] =	vst v5;
	v5 =	vmul.f32 v7, v1  }
0xaf: {  	v7 =	vld [tilespmem:s16+$0x20];
	[tilespmem:s16+$0xFFFFFFB0] =	vst v2;
	v2 =	vmul.f32 v10, v1  }
0xb0: {  	v9 =	vld [tilespmem:s16+$0x30];
	[tilespmem:s16+$0xFFFFFFC0] =	vst v5;
	v3 =	vmul.f32 v3, v1  }
0xb1: {  	v5 =	vld [tilespmem:s16+$0x40];
	v4 =	vmul.f32 v4, v1;
	[tilespmem:s16+$0xFFFFFFD0] =	vst v2  }
0xb2: {  	v2 =	vmul.f32 v8, v1;
	v8 =	vld [tilespmem:s16+$0x50];
	[tilespmem:s16+$0xFFFFFFE0] =	vst v3  }
0xb3: {  	v3 =	vld [tilespmem:s16+$0x60];
	[tilespmem:s16+$0xFFFFFFF0] =	vst v4;
	v6 =	vmul.f32 v6, v1  }
0xb4: {  	v4 =	vld [tilespmem:s16+$0x70];
	[tilespmem:s16+$0x0] =	vst v2;
	v2 =	vmul.f32 v7, v1  }
0xb5: {  	v7 =	vld [tilespmem:s16+$0x80];
	[tilespmem:s16+$0x10] =	vst v6;
	v6 =	vmul.f32 v9, v1  }
0xb6: {  	v9 =	vld [tilespmem:s16+$0x90];
	[tilespmem:s16+$0x20] =	vst v2;
	v2 =	vmul.f32 v5, v1  }
0xb7: {  	[tilespmem:s16+$0x30] =	vst v6;
	v5 =	vmul.f32 v8, v1;
	v8 =	vld [tilespmem:s16+$0xA0]  }
0xb8: {  	v6 =	vmul.f32 v3, v1;
	[tilespmem:s16+$0x40] =	vst v2;
	v2 =	vld [tilespmem:s16+$0xB0]  }
0xb9: {  	v3 =	vld [tilespmem:s16+$0xC0];
	[tilespmem:s16+$0x50] =	vst v5;
	v5 =	vmul.f32 v4, v1  }
0xba: {  	[tilespmem:s16+$0x60] =	vst v6;
	v10 =	vmul.f32 v7, v1;
	v4 =	vld [tilespmem:s16+$0xD0]  }
0xbb: {  	v7 =	vmul.f32 v9, v1;
	[tilespmem:s16+$0x70] =	vst v5;
	v5 =	vld [tilespmem:s16+$0xE0]  }
0xbc: {  	s17 =	simm.s32 $0x0;
	s18 =	simm.s32 $0x300;
	v6 =	vld [tilespmem:s16+$0xFFFFFF00];
	[tilespmem:s16+$0x80] =	vst v10;
	v8 =	vmul.f32 v8, v1  }
.LBB2_4:
0xbd: {  	v9 =	vld [tilespmem:s18+$0xF0];
	s17 =	sadd.s32 $0x200, s17;
	[tilespmem:s16+$0x90] =	vst v7;
	v2 =	vmul.f32 v2, v1  }
0xbe: {  	v7 =	vld [tilespmem:s18+$0xFFFFFF10];
	p0 =	slt.u32 s17, $0x7E00;
	[tilespmem:s16+$0xA0] =	vst v8;
	v3 =	vmul.f32 v3, v1  }
0xbf: {  	v8 =	vld [tilespmem:s18+$0xFFFFFF20];
	[tilespmem:s16+$0xB0] =	vst v2;
	v2 =	vmul.f32 v4, v1  }
0xc0: {  	v4 =	vld [tilespmem:s18+$0xFFFFFF30];
	[tilespmem:s16+$0xC0] =	vst v3;
	v3 =	vmul.f32 v5, v1  }
0xc1: {  	v5 =	vld [tilespmem:s18+$0xFFFFFF40];
	v6 =	vmul.f32 v6, v1;
	[tilespmem:s16+$0xD0] =	vst v2  }
0xc2: {  	v2 =	vld [tilespmem:s18+$0xFFFFFF50];
	v9 =	vmul.f32 v9, v1;
	[tilespmem:s16+$0xE0] =	vst v3  }
0xc3: {  	v3 =	vmul.f32 v7, v1;
	v7 =	vld [tilespmem:s18+$0xFFFFFF60];
	[tilespmem:s16+$0xFFFFFF00] =	vst v6;
	s16 =	smov.u32 s18  }
0xc4: {  	v6 =	vmul.f32 v8, v1;
	v8 =	vld [tilespmem:s18+$0xFFFFFF70];
	[tilespmem:s18+$0xF0] =	vst v9  }
0xc5: {  	[tilespmem:s18+$0xFFFFFF10] =	vst v3;
	v3 =	vmul.f32 v4, v1;
	v4 =	vld [tilespmem:s18+$0xFFFFFF80]  }
0xc6: {  	[tilespmem:s18+$0xFFFFFF20] =	vst v6;
	v5 =	vmul.f32 v5, v1;
	v6 =	vld [tilespmem:s18+$0xFFFFFF90]  }
0xc7: {  	[tilespmem:s18+$0xFFFFFF30] =	vst v3;
	v2 =	vmul.f32 v2, v1;
	v3 =	vld [tilespmem:s18+$0xFFFFFFA0]  }
0xc8: {  	[tilespmem:s18+$0xFFFFFF40] =	vst v5;
	v5 =	vmul.f32 v7, v1;
	v7 =	vld [tilespmem:s18+$0xFFFFFFB0]  }
0xc9: {  	[tilespmem:s18+$0xFFFFFF50] =	vst v2;
	v2 =	vmul.f32 v8, v1;
	v8 =	vld [tilespmem:s18+$0xFFFFFFC0]  }
0xca: {  	[tilespmem:s18+$0xFFFFFF60] =	vst v5;
	v4 =	vmul.f32 v4, v1;
	v5 =	vld [tilespmem:s18+$0xFFFFFFD0]  }
0xcb: {  	[tilespmem:s18+$0xFFFFFF70] =	vst v2;
	v2 =	vmul.f32 v6, v1;
	v6 =	vld [tilespmem:s18+$0xFFFFFFE0]  }
0xcc: {  	[tilespmem:s18+$0xFFFFFF80] =	vst v4;
	v3 =	vmul.f32 v3, v1;
	v4 =	vld [tilespmem:s18+$0xFFFFFFF0]  }
0xcd: {  	[tilespmem:s18+$0xFFFFFF90] =	vst v2;
	v2 =	vmul.f32 v7, v1;
	v7 =	vld [tilespmem:s18+$0x0]  }
0xce: {  	[tilespmem:s18+$0xFFFFFFA0] =	vst v3;
	v3 =	vmul.f32 v8, v1;
	v8 =	vld [tilespmem:s18+$0x10]  }
0xcf: {  	[tilespmem:s18+$0xFFFFFFB0] =	vst v2;
	v2 =	vmul.f32 v5, v1;
	v5 =	vld [tilespmem:s18+$0x20]  }
0xd0: {  	[tilespmem:s18+$0xFFFFFFC0] =	vst v3;
	v3 =	vmul.f32 v6, v1;
	v6 =	vld [tilespmem:s18+$0x30]  }
0xd1: {  	[tilespmem:s18+$0xFFFFFFD0] =	vst v2;
	v2 =	vmul.f32 v4, v1;
	v4 =	vld [tilespmem:s18+$0x40]  }
0xd2: {  	[tilespmem:s18+$0xFFFFFFE0] =	vst v3;
	v3 =	vmul.f32 v7, v1;
	v7 =	vld [tilespmem:s18+$0x50]  }
0xd3: {  	[tilespmem:s18+$0xFFFFFFF0] =	vst v2;
	v2 =	vmul.f32 v8, v1;
	v8 =	vld [tilespmem:s18+$0x60]  }
0xd4: {  	[tilespmem:s18+$0x0] =	vst v3;
	v3 =	vmul.f32 v5, v1;
	v5 =	vld [tilespmem:s18+$0x70]  }
0xd5: {  	[tilespmem:s18+$0x10] =	vst v2;
	v2 =	vmul.f32 v6, v1;
	v6 =	vld [tilespmem:s18+$0x80]  }
0xd6: {  	[tilespmem:s18+$0x20] =	vst v3;
	v3 =	vmul.f32 v4, v1;
	v9 =	vld [tilespmem:s18+$0x90]  }
0xd7: {  	[tilespmem:s18+$0x30] =	vst v2;
	v4 =	vmul.f32 v7, v1;
	v10 =	vld [tilespmem:s18+$0xA0]  }
.Ltmp1:
0xd8: {  	[tilespmem:s18+$0x40] =	vst v3;
	v7 =	vmul.f32 v8, v1;
	v2 =	vld [tilespmem:s18+$0xB0];
	(pc) =	sbr.rel @p0 .LBB2_4-.Ltmp1, $4  }
0xd9: {  	[tilespmem:s18+$0x50] =	vst v4;
	v5 =	vmul.f32 v5, v1;
	v3 =	vld [tilespmem:s18+$0xC0]  }
0xda: {  	[tilespmem:s18+$0x60] =	vst v7;
	v8 =	vmul.f32 v6, v1;
	v4 =	vld [tilespmem:s18+$0xD0]  }
0xdb: {  	[tilespmem:s18+$0x70] =	vst v5;
	v7 =	vmul.f32 v9, v1;
	v5 =	vld [tilespmem:s18+$0xE0]  }
0xdc: {  	s18 =	sadd.s32 $0x200, s18;
	v6 =	vld [tilespmem:s16+$0xFFFFFF00];
	[tilespmem:s16+$0x80] =	vst v8;
	v8 =	vmul.f32 v10, v1  }
0xdd: {  	[tilespmem:s16+$0x90] =	vst v7;
	v2 =	vmul.f32 v2, v1  }
0xde: {  	[tilespmem:s16+$0xA0] =	vst v8;
	v3 =	vmul.f32 v3, v1  }
0xdf: {  	[tilespmem:s16+$0xB0] =	vst v2;
	v2 =	vmul.f32 v4, v1  }
0xe0: {  	[tilespmem:s16+$0xC0] =	vst v3;
	v3 =	vmul.f32 v5, v1  }
0xe1: {  	v1 =	vmul.f32 v6, v1;
	[tilespmem:s16+$0xD0] =	vst v2  }
0xe2: {  	[tilespmem:s16+$0xE0] =	vst v3  }
0xe3: {  	[tilespmem:s16+$0xFFFFFF00] =	vst v1  }
0xe4: {  	[hbm4b:s5+s8] =	stream.strided.scatter [tilespmem:s2], [sflag:$0x3], $0x8000, s9, s8, $0x38;
	[tilespmem:$0x10000] =	vst v63  }
0xe5: {  	_ =	swait.ge [sflag:s12], $0x8000  }
0xe6: {  	[sflag:s12] =	ssyncset.done $0x0  }
0xe7: {  	[sflag:s12] =	ssyncadd.s32 $0xFFFF8000  }
0xe8: {  	v1 =	vld [tilespmem:$0x8000];
	_ =	sdelay $0x3  }
0xe9: {  	vm0 =	veq.s32 v0, $0x0  }
0xea: {  	v1 =	vsel vm0, $0xFF800000, v1  }
0xeb: {  	s16 =	simm.s32 $0x8100;
	[tilespmem:$0x8000] =	vst v1  }
0xec: {  	v1 =	vld [tilespmem:s16+$0x70]  }
0xed: {  	v2 =	vld [tilespmem:s16+$0xFFFFFF30]  }
0xee: {  	v3 =	vld [tilespmem:s16+$0xFFFFFF40]  }
0xef: {  	v4 =	vld [tilespmem:s16+$0xB0]  }
0xf0: {  	v5 =	vld [tilespmem:s16+$0xFFFFFF50]  }
0xf1: {  	v6 =	vld [tilespmem:s16+$0xC0]  }
0xf2: {  	v7 =	vld [tilespmem:s16+$0xFFFFFF60]  }
0xf3: {  	v8 =	vld [tilespmem:s16+$0xFFFFFF70]  }
0xf4: {  	v9 =	vld [tilespmem:s16+$0xFFFFFFD0]  }
0xf5: {  	v10 =	vld [tilespmem:s16+$0xFFFFFFF0];
	v1 =	vmul.f32 $1.442695020e+00, v1  }
0xf6: {  	v11 =	vld [tilespmem:s16+$0x60];
	v4 =	vmul.f32 $1.442695020e+00, v4  }
0xf7: {  	v12 =	vld [tilespmem:s16+$0xFFFFFF20];
	v7 =	vmul.f32 $1.442695020e+00, v7;
	(erf) = vpow2.f32 v1  }
0xf8: {  	v8 =	vmul.f32 $1.442695020e+00, v8;
	(erf) = vpow2.f32 v4;
	v4 =	vld [tilespmem:s16+$0x80]  }
0xf9: {  	v13 =	vmul.f32 $1.442695020e+00, v5;
	v1 =	vmul.f32 $1.442695020e+00, v6;
	v6 =	vld [tilespmem:s16+$0x0]  }
0xfa: {  	v15 =	vld [tilespmem:s16+$0xFFFFFFB0];
	v14 =	vmul.f32 $1.442695020e+00, v3;
	v10 =	vmul.f32 $1.442695020e+00, v10  }
0xfb: {  	v3 =	vmul.f32 $1.442695020e+00, v2;
	v2 =	vmul.f32 $1.442695020e+00, v11;
	v11 =	vld [tilespmem:s16+$0xFFFFFF90]  }
0xfc: {  	v9 =	vmul.f32 $1.442695020e+00, v9;
	v17 =	vmul.f32 $1.442695020e+00, v12;
	v12 =	vld [tilespmem:s16+$0xF0]  }
0xfd: {  	(erf) = vpow2.f32 v10;
	v10 =	vld [tilespmem:s16+$0xFFFFFFE0];
	v4 =	vmul.f32 $1.442695020e+00, v4  }
0xfe: {  	v16 =	vld [tilespmem:s16+$0xFFFFFFC0];
	(erf) = vpow2.f32 v2;
	v6 =	vmul.f32 $1.442695020e+00, v6  }
0xff: {  	v5 =	vld [tilespmem:s16+$0xFFFFFF10];
	v15 =	vmul.f32 $1.442695020e+00, v15;
	(erf) = vpow2.f32 v4  }
0x100: {  	v19 =	vmul.f32 $1.442695020e+00, v11;
	(erf) = vpow2.f32 v6;
	v6 =	vld [tilespmem:s16+$0x50]  }
0x101: {  	v11 =	vmul.f32 $1.442695020e+00, v12;
	(erf) = vpow2.f32 v9;
	v9 =	vld [tilespmem:s16+$0xE0]  }
0x102: {  	v10 =	vmul.f32 $1.442695020e+00, v10;
	(erf) = vpow2.f32 v8;
	v8 =	vld [tilespmem:s16+$0xFFFFFFA0]  }
0x103: {  	(erf) = vpow2.f32 v7;
	v7 =	vmul.f32 $1.442695020e+00, v16;
	v16 =	vld [tilespmem:s16+$0xFFFFFF00]  }
0x104: {  	v4 =	vmul.f32 $1.442695020e+00, v5;
	v5 =	vpop (erf);
	(erf) = vpow2.f32 v13;
	v13 =	vld [tilespmem:s16+$0xD0]  }
0x105: {  	v2 =	vpop (erf);
	(erf) = vpow2.f32 v10;
	v23 =	vmul.f32 $1.442695020e+00, v6;
	v6 =	vld [tilespmem:s16+$0xFFFFFF80]  }
0x106: {  	[tilespmem:s16+$0x70] =	vst v5;
	v21 =	vpop (erf);
	(erf) = vpow2.f32 v14;
	v22 =	vmul.f32 $1.442695020e+00, v9;
	v9 =	vld [tilespmem:s16+$0x20]  }
0x107: {  	[tilespmem:s16+$0xB0] =	vst v2;
	v12 =	vpop (erf);
	(erf) = vpow2.f32 v11;
	v8 =	vmul.f32 $1.442695020e+00, v8  }
0x108: {  	[tilespmem:s16+$0xFFFFFFF0] =	vst v21;
	(erf) = vpow2.f32 v7;
	v11 =	vpop (erf);
	v7 =	vmul.f32 $1.442695020e+00, v16  }
0x109: {  	v28 =	vld [tilespmem:s16+$0x10];
	[tilespmem:s16+$0x60] =	vst v12;
	v14 =	vimm.f32 $0.0e+00;
	(erf) = vpow2.f32 v17;
	v17 =	vpop (erf);
	v24 =	vmul.f32 $1.442695020e+00, v13  }
0x10a: {  	v18 =	vld [tilespmem:s16+$0x90];
	v16 =	vimm.f32 $0.0e+00;
	[tilespmem:s16+$0x80] =	vst v11;
	(erf) = vpow2.f32 v15;
	v20 =	vpop (erf);
	v29 =	vmul.f32 $1.442695020e+00, v6  }
0x10b: {  	v26 =	vld [tilespmem:s16+$0x40];
	[tilespmem:s16+$0x0] =	vst v17;
	v6 =	vimm.f32 $0.0e+00;
	(erf) = vpow2.f32 v7;
	v10 =	vpop (erf);
	v25 =	vmul.f32 $1.442695020e+00, v9  }
0x10c: {  	v30 =	vld [tilespmem:s16+$0x30];
	[tilespmem:s16+$0xFFFFFFD0] =	vst v20;
	v7 =	vimm.f32 $0.0e+00;
	v9 =	vimm.f32 $0.0e+00;
	v13 =	vadd.f32 v10, v16  }
0x10d: {  	s17 =	simm.s32 $0x0;
	s18 =	simm.s32 $0x8300;
	v27 =	vld [tilespmem:s16+$0xA0];
	(erf) = vpow2.f32 v8;
	v8 =	vimm.f32 $0.0e+00;
	[tilespmem:s16+$0xFFFFFF70] =	vst v10;
	v15 =	vpop (erf);
	v10 =	vimm.f32 $0.0e+00  }
.LBB2_6:
0x10e: {  	v31 =	vld [tilespmem:s18+$0x70];
	s17 =	sadd.s32 $0x200, s17;
	v32 =	vpop (erf);
	(erf) = vpow2.f32 v23  }
0x10f: {  	v23 =	vld [tilespmem:s18+$0xFFFFFFB0];
	p0 =	slt.u32 s17, $0x7E00;
	[tilespmem:s16+$0xFFFFFF50] =	vst v32;
	v13 =	vadd.f32 v21, v13;
	v34 =	vmul.f32 $1.442695020e+00, v28;
	(erf) = vpow2.f32 v29;
	v28 =	vpop (erf)  }
0x110: {  	v29 =	vld [tilespmem:s18+$0xFFFFFF10];
	[tilespmem:s16+$0xFFFFFFE0] =	vst v28;
	v26 =	vmul.f32 $1.442695020e+00, v26;
	v33 =	vpop (erf);
	(erf) = vpow2.f32 v19  }
0x111: {  	v19 =	vld [tilespmem:s18+$0xFFFFFF20];
	v30 =	vmul.f32 $1.442695020e+00, v30;
	v36 =	vadd.f32 v5, v13;
	(erf) = vpow2.f32 v34;
	v21 =	vpop (erf)  }
0x112: {  	v34 =	vld [tilespmem:s18+$0xFFFFFF30];
	v27 =	vmul.f32 $1.442695020e+00, v27;
	v35 =	vpop (erf);
	(erf) = vpow2.f32 v22  }
0x113: {  	v22 =	vld [tilespmem:s18+$0xFFFFFF40];
	v31 =	vmul.f32 $1.442695020e+00, v31;
	[tilespmem:s16+$0xFFFFFFC0] =	vst v35;
	v13 =	vadd.f32 v21, v36;
	v5 =	vpop (erf);
	(erf) = vpow2.f32 v24  }
0x114: {  	v6 =	vadd.f32 v15, v6;
	v24 =	vld [tilespmem:s18+$0xB0];
	[tilespmem:s16+$0xFFFFFF20] =	vst v5;
	v5 =	vadd.f32 v5, v16;
	v16 =	vpop (erf);
	(erf) = vpow2.f32 v25  }
0x115: {  	v8 =	vadd.f32 v32, v8;
	v25 =	vld [tilespmem:s18+$0xFFFFFF50];
	[tilespmem:s16+$0xFFFFFFB0] =	vst v16;
	v32 =	vpop (erf);
	(erf) = vpow2.f32 v3  }
0x116: {  	v6 =	vadd.f32 v28, v6;
	v3 =	vld [tilespmem:s18+$0xC0];
	[tilespmem:s16+$0xFFFFFF00] =	vst v32;
	v7 =	vadd.f32 v32, v7;
	v28 =	vpop (erf);
	(erf) = vpow2.f32 v30  }
0x117: {  	v14 =	vadd.f32 v33, v14;
	v8 =	vadd.f32 v20, v8;
	v30 =	vld [tilespmem:s18+$0xFFFFFF60];
	[tilespmem:s16+$0xFFFFFFA0] =	vst v28;
	(erf) = vpow2.f32 v26;
	v20 =	vpop (erf)  }
0x118: {  	v6 =	vadd.f32 v12, v6;
	v5 =	vadd.f32 v28, v5;
	v26 =	vld [tilespmem:s18+$0xFFFFFF70];
	[tilespmem:s16+$0x50] =	vst v20;
	(erf) = vpow2.f32 v4;
	v4 =	vpop (erf)  }
0x119: {  	v14 =	vadd.f32 v35, v14;
	v12 =	vld [tilespmem:s18+$0xFFFFFFE0];
	(erf) = vpow2.f32 v31;
	[tilespmem:s16+$0xFFFFFF80] =	vst v4;
	v4 =	vadd.f32 v4, v7;
	v28 =	vpop (erf)  }
0x11a: {  	v8 =	vadd.f32 v20, v8;
	v7 =	vmul.f32 $1.442695020e+00, v24;
	v31 =	vld [tilespmem:s18+$0xFFFFFFD0];
	[tilespmem:s16+$0xFFFFFF90] =	vst v28;
	v20 =	vpop (erf);
	(erf) = vpow2.f32 v27  }
0x11b: {  	v24 =	vld [tilespmem:s18+$0x0];
	[tilespmem:s16+$0xFFFFFF60] =	vst v15;
	v4 =	vadd.f32 v17, v4;
	(erf) = vpow2.f32 v1;
	v1 =	vmul.f32 $1.442695020e+00, v3;
	v3 =	vpop (erf)  }
0x11c: {  	v17 =	vmul.f32 $1.442695020e+00, v18;
	v15 =	vld [tilespmem:s18+$0xFFFFFFF0];
	(erf) = vpow2.f32 v7;
	[tilespmem:s16+$0xE0] =	vst v3;
	v6 =	vadd.f32 v3, v6;
	v18 =	vpop (erf)  }
0x11d: {  	v27 =	vmul.f32 $1.442695020e+00, v30;
	v26 =	vmul.f32 $1.442695020e+00, v26;
	v30 =	vld [tilespmem:s18+$0x80];
	v7 =	vadd.f32 v11, v4;
	[tilespmem:s16+$0xD0] =	vst v18;
	v3 =	vpop (erf)  }
0x11e: {  	v11 =	vmul.f32 $1.442695020e+00, v25;
	v25 =	vld [tilespmem:s18+$0x60];
	[tilespmem:s16+$0xFFFFFF40] =	vst v33;
	v32 =	vadd.f32 v3, v5;
	v33 =	vpop (erf);
	(erf) = vpow2.f32 v17  }
0x11f: {  	v17 =	vmul.f32 $1.442695020e+00, v22;
	v22 =	vld [tilespmem:s18+$0xFFFFFF90];
	v31 =	vmul.f32 $1.442695020e+00, v31;
	v10 =	vadd.f32 v33, v10;
	[tilespmem:s16+$0x20] =	vst v3;
	v35 =	vpop (erf)  }
0x120: {  	v8 =	vadd.f32 v18, v8;
	v3 =	vmul.f32 $1.442695020e+00, v34;
	v34 =	vld [tilespmem:s18+$0xFFFFFFC0];
	v24 =	vmul.f32 $1.442695020e+00, v24;
	[tilespmem:s16+$0xF0] =	vst v21;
	v18 =	vpop (erf)  }
0x121: {  	v36 =	vmul.f32 $1.442695020e+00, v19;
	v39 =	vmul.f32 $1.442695020e+00, v15;
	v21 =	vld [tilespmem:s18+$0x50];
	[tilespmem:s16+$0x30] =	vst v35;
	v14 =	vadd.f32 v18, v14;
	v37 =	vpop (erf)  }
0x122: {  	v4 =	vmul.f32 $1.442695020e+00, v29;
	v29 =	vmul.f32 $1.442695020e+00, v30;
	v30 =	vld [tilespmem:s18+$0xF0];
	v5 =	vpop (erf);
	v9 =	vadd.f32 v37, v9;
	[tilespmem:s16+$0xFFFFFF30] =	vst v33  }
0x123: {  	v10 =	vadd.f32 v16, v10;
	v33 =	vmul.f32 $1.442695020e+00, v23;
	v23 =	vmul.f32 $1.442695020e+00, v25;
	[tilespmem:s18+$0x70] =	vst v5;
	v25 =	vld [tilespmem:s18+$0xE0];
	v16 =	vpop (erf)  }
0x124: {  	v19 =	vmul.f32 $1.442695020e+00, v22;
	v38 =	vld [tilespmem:s18+$0xFFFFFFA0];
	(erf) = vpow2.f32 v39;
	v9 =	vadd.f32 v28, v9;
	[tilespmem:s16+$0xA0] =	vst v16;
	v15 =	vpop (erf)  }
0x125: {  	v16 =	vadd.f32 v16, v32;
	v28 =	vmul.f32 $1.442695020e+00, v34;
	(erf) = vpow2.f32 v23;
	v34 =	vpop (erf);
	[tilespmem:s16+$0xFFFFFF10] =	vst v37  }
0x126: {  	v14 =	vadd.f32 v15, v14;
	v23 =	vmul.f32 $1.442695020e+00, v21;
	(erf) = vpow2.f32 v29;
	[tilespmem:s16+$0xC0] =	vst v15  }
0x127: {  	v10 =	vadd.f32 v35, v10;
	v15 =	vld [tilespmem:s18+$0xFFFFFF00];
	v29 =	vmul.f32 $1.442695020e+00, v30;
	(erf) = vpow2.f32 v24;
	[tilespmem:s16+$0x40] =	vst v18;
	v18 =	vpop (erf)  }
0x128: {  	v9 =	vadd.f32 v20, v9;
	v22 =	vmul.f32 $1.442695020e+00, v25;
	(erf) = vpow2.f32 v31;
	[tilespmem:s16+$0x90] =	vst v18  }
0x129: {  	v10 =	vadd.f32 v2, v10;
	v2 =	vmovc v34;
	v31 =	vmul.f32 $1.442695020e+00, v38;
	(erf) = vpow2.f32 v26;
	[tilespmem:s16+$0x10] =	vst v20;
	s16 =	smov.u32 s18  }
0x12a: {  	v12 =	vmul.f32 $1.442695020e+00, v12;
	v9 =	vadd.f32 v18, v9;
	[tilespmem:s18+$0xB0] =	vst v2;
	v20 =	vld [tilespmem:s18+$0xD0];
	(erf) = vpow2.f32 v27  }
0x12b: {  	v25 =	vld [tilespmem:s18+$0xFFFFFF80];
	(erf) = vpow2.f32 v11  }
0x12c: {  	v15 =	vmul.f32 $1.442695020e+00, v15;
	(erf) = vpow2.f32 v12  }
0x12d: {  	v27 =	vld [tilespmem:s18+$0x20];
	(erf) = vpow2.f32 v17;
	v21 =	vpop (erf)  }
0x12e: {  	[tilespmem:s18+$0xFFFFFFF0] =	vst v21;
	v12 =	vpop (erf);
	(erf) = vpow2.f32 v29  }
.Ltmp2:
0x12f: {  	[tilespmem:s18+$0x60] =	vst v12;
	v18 =	vld [tilespmem:s18+$0x90];
	v24 =	vmul.f32 $1.442695020e+00, v20;
	(erf) = vpow2.f32 v28;
	v11 =	vpop (erf);
	(pc) =	sbr.rel @p0 .LBB2_6-.Ltmp2, $4  }
0x130: {  	v29 =	vmul.f32 $1.442695020e+00, v25;
	v28 =	vld [tilespmem:s18+$0x10];
	[tilespmem:s18+$0x80] =	vst v11;
	(erf) = vpow2.f32 v36;
	v17 =	vpop (erf)  }
0x131: {  	[tilespmem:s18+$0x0] =	vst v17;
	v26 =	vld [tilespmem:s18+$0x40];
	(erf) = vpow2.f32 v33;
	v20 =	vpop (erf)  }
0x132: {  	[tilespmem:s18+$0xFFFFFFD0] =	vst v20;
	v25 =	vmul.f32 $1.442695020e+00, v27;
	v30 =	vld [tilespmem:s18+$0x30];
	(erf) = vpow2.f32 v15;
	v15 =	vpop (erf)  }
0x133: {  	s18 =	sadd.s32 $0x200, s18;
	[tilespmem:s16+$0xFFFFFF70] =	vst v15;
	v13 =	vadd.f32 v15, v13;
	v27 =	vld [tilespmem:s16+$0xA0];
	v15 =	vpop (erf);
	(erf) = vpow2.f32 v31  }
0x134: {  	v31 =	vpop (erf);
	(erf) = vpow2.f32 v23  }
0x135: {  	v49 =	vmul.f32 $1.442695020e+00, v28;
	(erf) = vpow2.f32 v29;
	v50 =	vpop (erf)  }
0x136: {  	v51 =	vpop (erf);
	(erf) = vpow2.f32 v19  }
0x137: {  	(erf) = vpow2.f32 v49;
	v52 =	vpop (erf)  }
0x138: {  	v53 =	vpop (erf);
	(erf) = vpow2.f32 v22  }
0x139: {  	v54 =	vpop (erf);
	(erf) = vpow2.f32 v24  }
0x13a: {  	v55 =	vmul.f32 $1.442695020e+00, v30;
	v56 =	vpop (erf);
	(erf) = vpow2.f32 v25  }
0x13b: {  	v57 =	vmul.f32 $1.442695020e+00, v26;
	v58 =	vpop (erf);
	(erf) = vpow2.f32 v3  }
0x13c: {  	v3 =	vpop (erf);
	(erf) = vpow2.f32 v55  }
0x13d: {  	(erf) = vpow2.f32 v57;
	v59 =	vpop (erf)  }
0x13e: {  	(erf) = vpow2.f32 v4;
	v4 =	vpop (erf)  }
0x13f: {  	v60 =	vpop (erf)  }
0x140: {  	v27 =	vmul.f32 $1.442695020e+00, v27;
	v32 =	vpop (erf)  }
0x141: {  	v33 =	vpop (erf)  }
0x142: {  	v18 =	vmul.f32 $1.442695020e+00, v18;
	(erf) = vpow2.f32 v27;
	v61 =	vpop (erf)  }
0x143: {  	(erf) = vpow2.f32 v1;
	v1 =	vpop (erf)  }
0x144: {  	(erf) = vpow2.f32 v18;
	v34 =	vpop (erf)  }
0x145: {  	v62 =	vpop (erf)  }
0x146: {  	v35 =	vpop (erf)  }
0x147: {  	v7 =	vadd.f32 v58, v7;
	v36 =	vpop (erf)  }
0x148: {  	v9 =	vadd.f32 v36, v9  }
0x149: {  	v7 =	vadd.f32 v4, v7;
	v10 =	vadd.f32 v34, v10  }
0x14a: {  	v16 =	vadd.f32 v54, v16;
	v9 =	vadd.f32 v60, v9  }
0x14b: {  	v7 =	vadd.f32 v17, v7;
	v10 =	vadd.f32 v56, v10;
	v63 =	vpop (erf)  }
0x14c: {  	v16 =	vadd.f32 v3, v16;
	v37 =	vpop (erf);
	v9 =	vadd.f32 v32, v9  }
0x14d: {  	v7 =	vadd.f32 v11, v7;
	v10 =	vadd.f32 v62, v10;
	v11 =	vpop (erf)  }
0x14e: {  	v16 =	vadd.f32 v1, v16;
	v9 =	vadd.f32 v11, v9  }
0x14f: {  	v2 =	vadd.f32 v2, v10;
	v10 =	vadd.f32 v51, v14  }
0x150: {  	v7 =	vadd.f32 v9, v7;
	v9 =	vadd.f32 v63, v16  }
0x151: {  	v8 =	vadd.f32 v31, v8;
	v10 =	vadd.f32 v53, v10  }
0x152: {  	v6 =	vadd.f32 v15, v6;
	v7 =	vadd.f32 v9, v7  }
0x153: {  	v8 =	vadd.f32 v20, v8;
	v9 =	vadd.f32 v35, v10  }
0x154: {  	v6 =	vadd.f32 v50, v6;
	v2 =	vadd.f32 v2, v7  }
0x155: {  	v7 =	vadd.f32 v59, v8;
	v8 =	vadd.f32 v37, v9  }
0x156: {  	v6 =	vadd.f32 v12, v6;
	v9 =	vadd.f32 v21, v13  }
0x157: {  	v7 =	vadd.f32 v61, v7;
	v2 =	vadd.f32 v8, v2  }
0x158: {  	v6 =	vadd.f32 v33, v6  }
0x159: {  	[tilespmem:s16+$0xFFFFFF60] =	vst v15;
	v5 =	vadd.f32 v5, v9;
	v2 =	vadd.f32 v7, v2  }
0x15a: {  	[tilespmem:s16+$0xFFFFFF50] =	vst v31  }
0x15b: {  	[tilespmem:s16+$0xFFFFFFE0] =	vst v50;
	v5 =	vadd.f32 v52, v5;
	v2 =	vadd.f32 v6, v2  }
0x15c: {  	[tilespmem:s16+$0xFFFFFF40] =	vst v51  }
0x15d: {  	[tilespmem:s16+$0xF0] =	vst v52;
	v2 =	vadd.f32 v5, v2  }
0x15e: {  	[tilespmem:s16+$0xFFFFFFC0] =	vst v53  }
0x15f: {  	[tilespmem:s16+$0xFFFFFF20] =	vst v54;
	(xrf2) =	vadd.scan.msk.f32 $0xffff, v2  }
0x160: {  	[tilespmem:s16+$0xFFFFFFB0] =	vst v56  }
0x161: {  	[tilespmem:s16+$0xFFFFFF00] =	vst v58  }
0x162: {  	[tilespmem:s16+$0xFFFFFFA0] =	vst v3  }
0x163: {  	[tilespmem:s16+$0x50] =	vst v59  }
0x164: {  	[tilespmem:s16+$0xFFFFFF80] =	vst v4  }
0x165: {  	[tilespmem:s16+$0xFFFFFF90] =	vst v60  }
0x166: {  	[tilespmem:s16+$0x10] =	vst v32  }
0x167: {  	[tilespmem:s16+$0xE0] =	vst v33  }
0x168: {  	[tilespmem:s16+$0xD0] =	vst v61  }
0x169: {  	[tilespmem:s16+$0x20] =	vst v1;
	v1, _, _ =	vpop (xrf2)  }
0x16a: {  	[tilespmem:s16+$0xFFFFFF30] =	vst v34;
	v1 =	vbroadcast v1, $0xF  }
0x16b: {  	[tilespmem:s16+$0x30] =	vst v62  }
0x16c: {  	[tilespmem:s16+$0x40] =	vst v35;
	(erf) = vrcp.f32 v1  }
0x16d: {  	[tilespmem:s16+$0xFFFFFF10] =	vst v36  }
0x16e: {  	[tilespmem:s16+$0xA0] =	vst v63  }
0x16f: {  	[tilespmem:s16+$0xC0] =	vst v37  }
0x170: {  	[tilespmem:s16+$0x90] =	vst v11;
	s16 =	simm.s32 $0x8100  }
0x171: {  	v2 =	vld [tilespmem:s16+$0xF0]  }
0x172: {  	v3 =	vld [tilespmem:s16+$0xFFFFFF10]  }
0x173: {  	v4 =	vld [tilespmem:s16+$0xFFFFFF20]  }
0x174: {  	v8 =	vld [tilespmem:s16+$0xFFFFFF60]  }
0x175: {  	v9 =	vld [tilespmem:s16+$0xFFFFFF70];
	v1 =	vpop (erf)  }
0x176: {  	v5 =	vld [tilespmem:s16+$0xFFFFFF30];
	v2 =	vmul.f32 v2, v1  }
0x177: {  	v6 =	vld [tilespmem:s16+$0xFFFFFF40];
	v3 =	vmul.f32 v3, v1  }
0x178: {  	v7 =	vld [tilespmem:s16+$0xFFFFFF50];
	v4 =	vmul.f32 v4, v1;
	[tilespmem:s16+$0xF0] =	vst v2  }
0x179: {  	v10 =	vld [tilespmem:s16+$0xFFFFFF80];
	v8 =	vmul.f32 v8, v1;
	[tilespmem:s16+$0xFFFFFF10] =	vst v3  }
0x17a: {  	v9 =	vmul.f32 v9, v1;
	v2 =	vld [tilespmem:s16+$0xFFFFFF90];
	[tilespmem:s16+$0xFFFFFF20] =	vst v4  }
0x17b: {  	v3 =	vmul.f32 v5, v1;
	v5 =	vld [tilespmem:s16+$0xFFFFFFA0];
	[tilespmem:s16+$0xFFFFFF60] =	vst v8  }
0x17c: {  	v4 =	vmul.f32 v6, v1;
	v6 =	vld [tilespmem:s16+$0xFFFFFFB0];
	[tilespmem:s16+$0xFFFFFF70] =	vst v9  }
0x17d: {  	[tilespmem:s16+$0xFFFFFF30] =	vst v3;
	v3 =	vmul.f32 v7, v1;
	v7 =	vld [tilespmem:s16+$0xFFFFFFC0]  }
0x17e: {  	[tilespmem:s16+$0xFFFFFF40] =	vst v4;
	v4 =	vmul.f32 v10, v1;
	v10 =	vld [tilespmem:s16+$0xFFFFFFD0]  }
0x17f: {  	[tilespmem:s16+$0xFFFFFF50] =	vst v3;
	v3 =	vld [tilespmem:s16+$0xFFFFFFE0];
	v2 =	vmul.f32 v2, v1  }
0x180: {  	[tilespmem:s16+$0xFFFFFF80] =	vst v4;
	v4 =	vld [tilespmem:s16+$0xFFFFFFF0];
	v5 =	vmul.f32 v5, v1  }
0x181: {  	v8 =	vld [tilespmem:s16+$0x0];
	[tilespmem:s16+$0xFFFFFF90] =	vst v2;
	v2 =	vmul.f32 v6, v1  }
0x182: {  	v6 =	vld [tilespmem:s16+$0x10];
	[tilespmem:s16+$0xFFFFFFA0] =	vst v5;
	v5 =	vmul.f32 v7, v1  }
0x183: {  	v7 =	vld [tilespmem:s16+$0x20];
	[tilespmem:s16+$0xFFFFFFB0] =	vst v2;
	v2 =	vmul.f32 v10, v1  }
0x184: {  	v9 =	vld [tilespmem:s16+$0x30];
	[tilespmem:s16+$0xFFFFFFC0] =	vst v5;
	v3 =	vmul.f32 v3, v1  }
0x185: {  	v5 =	vld [tilespmem:s16+$0x40];
	v4 =	vmul.f32 v4, v1;
	[tilespmem:s16+$0xFFFFFFD0] =	vst v2  }
0x186: {  	v2 =	vmul.f32 v8, v1;
	v8 =	vld [tilespmem:s16+$0x50];
	[tilespmem:s16+$0xFFFFFFE0] =	vst v3  }
0x187: {  	v3 =	vld [tilespmem:s16+$0x60];
	[tilespmem:s16+$0xFFFFFFF0] =	vst v4;
	v6 =	vmul.f32 v6, v1  }
0x188: {  	v4 =	vld [tilespmem:s16+$0x70];
	[tilespmem:s16+$0x0] =	vst v2;
	v2 =	vmul.f32 v7, v1  }
0x189: {  	v7 =	vld [tilespmem:s16+$0x80];
	[tilespmem:s16+$0x10] =	vst v6;
	v6 =	vmul.f32 v9, v1  }
0x18a: {  	v9 =	vld [tilespmem:s16+$0x90];
	[tilespmem:s16+$0x20] =	vst v2;
	v2 =	vmul.f32 v5, v1  }
0x18b: {  	[tilespmem:s16+$0x30] =	vst v6;
	v5 =	vmul.f32 v8, v1;
	v8 =	vld [tilespmem:s16+$0xA0]  }
0x18c: {  	v6 =	vmul.f32 v3, v1;
	[tilespmem:s16+$0x40] =	vst v2;
	v2 =	vld [tilespmem:s16+$0xB0]  }
0x18d: {  	v3 =	vld [tilespmem:s16+$0xC0];
	[tilespmem:s16+$0x50] =	vst v5;
	v5 =	vmul.f32 v4, v1  }
0x18e: {  	[tilespmem:s16+$0x60] =	vst v6;
	v10 =	vmul.f32 v7, v1;
	v4 =	vld [tilespmem:s16+$0xD0]  }
0x18f: {  	v7 =	vmul.f32 v9, v1;
	[tilespmem:s16+$0x70] =	vst v5;
	v5 =	vld [tilespmem:s16+$0xE0]  }
0x190: {  	s17 =	simm.s32 $0x0;
	s18 =	simm.s32 $0x8300;
	v6 =	vld [tilespmem:s16+$0xFFFFFF00];
	[tilespmem:s16+$0x80] =	vst v10;
	v8 =	vmul.f32 v8, v1  }
.LBB2_8:
0x191: {  	v9 =	vld [tilespmem:s18+$0xF0];
	s17 =	sadd.s32 $0x200, s17;
	[tilespmem:s16+$0x90] =	vst v7;
	v2 =	vmul.f32 v2, v1  }
0x192: {  	v7 =	vld [tilespmem:s18+$0xFFFFFF10];
	p0 =	slt.u32 s17, $0x7E00;
	[tilespmem:s16+$0xA0] =	vst v8;
	v3 =	vmul.f32 v3, v1  }
0x193: {  	v8 =	vld [tilespmem:s18+$0xFFFFFF20];
	[tilespmem:s16+$0xB0] =	vst v2;
	v2 =	vmul.f32 v4, v1  }
0x194: {  	v4 =	vld [tilespmem:s18+$0xFFFFFF30];
	[tilespmem:s16+$0xC0] =	vst v3;
	v3 =	vmul.f32 v5, v1  }
0x195: {  	v5 =	vld [tilespmem:s18+$0xFFFFFF40];
	v6 =	vmul.f32 v6, v1;
	[tilespmem:s16+$0xD0] =	vst v2  }
0x196: {  	v2 =	vld [tilespmem:s18+$0xFFFFFF50];
	v9 =	vmul.f32 v9, v1;
	[tilespmem:s16+$0xE0] =	vst v3  }
0x197: {  	v3 =	vmul.f32 v7, v1;
	v7 =	vld [tilespmem:s18+$0xFFFFFF60];
	[tilespmem:s16+$0xFFFFFF00] =	vst v6;
	s16 =	smov.u32 s18  }
0x198: {  	v6 =	vmul.f32 v8, v1;
	v8 =	vld [tilespmem:s18+$0xFFFFFF70];
	[tilespmem:s18+$0xF0] =	vst v9  }
0x199: {  	[tilespmem:s18+$0xFFFFFF10] =	vst v3;
	v3 =	vmul.f32 v4, v1;
	v4 =	vld [tilespmem:s18+$0xFFFFFF80]  }
0x19a: {  	[tilespmem:s18+$0xFFFFFF20] =	vst v6;
	v5 =	vmul.f32 v5, v1;
	v6 =	vld [tilespmem:s18+$0xFFFFFF90]  }
0x19b: {  	[tilespmem:s18+$0xFFFFFF30] =	vst v3;
	v2 =	vmul.f32 v2, v1;
	v3 =	vld [tilespmem:s18+$0xFFFFFFA0]  }
0x19c: {  	[tilespmem:s18+$0xFFFFFF40] =	vst v5;
	v5 =	vmul.f32 v7, v1;
	v7 =	vld [tilespmem:s18+$0xFFFFFFB0]  }
0x19d: {  	[tilespmem:s18+$0xFFFFFF50] =	vst v2;
	v2 =	vmul.f32 v8, v1;
	v8 =	vld [tilespmem:s18+$0xFFFFFFC0]  }
0x19e: {  	[tilespmem:s18+$0xFFFFFF60] =	vst v5;
	v4 =	vmul.f32 v4, v1;
	v5 =	vld [tilespmem:s18+$0xFFFFFFD0]  }
0x19f: {  	[tilespmem:s18+$0xFFFFFF70] =	vst v2;
	v2 =	vmul.f32 v6, v1;
	v6 =	vld [tilespmem:s18+$0xFFFFFFE0]  }
0x1a0: {  	[tilespmem:s18+$0xFFFFFF80] =	vst v4;
	v3 =	vmul.f32 v3, v1;
	v4 =	vld [tilespmem:s18+$0xFFFFFFF0]  }
0x1a1: {  	[tilespmem:s18+$0xFFFFFF90] =	vst v2;
	v2 =	vmul.f32 v7, v1;
	v7 =	vld [tilespmem:s18+$0x0]  }
0x1a2: {  	[tilespmem:s18+$0xFFFFFFA0] =	vst v3;
	v3 =	vmul.f32 v8, v1;
	v8 =	vld [tilespmem:s18+$0x10]  }
0x1a3: {  	[tilespmem:s18+$0xFFFFFFB0] =	vst v2;
	v2 =	vmul.f32 v5, v1;
	v5 =	vld [tilespmem:s18+$0x20]  }
0x1a4: {  	[tilespmem:s18+$0xFFFFFFC0] =	vst v3;
	v3 =	vmul.f32 v6, v1;
	v6 =	vld [tilespmem:s18+$0x30]  }
0x1a5: {  	[tilespmem:s18+$0xFFFFFFD0] =	vst v2;
	v2 =	vmul.f32 v4, v1;
	v4 =	vld [tilespmem:s18+$0x40]  }
0x1a6: {  	[tilespmem:s18+$0xFFFFFFE0] =	vst v3;
	v3 =	vmul.f32 v7, v1;
	v7 =	vld [tilespmem:s18+$0x50]  }
0x1a7: {  	[tilespmem:s18+$0xFFFFFFF0] =	vst v2;
	v2 =	vmul.f32 v8, v1;
	v8 =	vld [tilespmem:s18+$0x60]  }
0x1a8: {  	[tilespmem:s18+$0x0] =	vst v3;
	v3 =	vmul.f32 v5, v1;
	v5 =	vld [tilespmem:s18+$0x70]  }
0x1a9: {  	[tilespmem:s18+$0x10] =	vst v2;
	v2 =	vmul.f32 v6, v1;
	v6 =	vld [tilespmem:s18+$0x80]  }
0x1aa: {  	[tilespmem:s18+$0x20] =	vst v3;
	v3 =	vmul.f32 v4, v1;
	v9 =	vld [tilespmem:s18+$0x90]  }
0x1ab: {  	[tilespmem:s18+$0x30] =	vst v2;
	v4 =	vmul.f32 v7, v1;
	v10 =	vld [tilespmem:s18+$0xA0]  }
.Ltmp3:
0x1ac: {  	[tilespmem:s18+$0x40] =	vst v3;
	v7 =	vmul.f32 v8, v1;
	v2 =	vld [tilespmem:s18+$0xB0];
	(pc) =	sbr.rel @p0 .LBB2_8-.Ltmp3, $4  }
0x1ad: {  	[tilespmem:s18+$0x50] =	vst v4;
	v5 =	vmul.f32 v5, v1;
	v3 =	vld [tilespmem:s18+$0xC0]  }
0x1ae: {  	[tilespmem:s18+$0x60] =	vst v7;
	v8 =	vmul.f32 v6, v1;
	v4 =	vld [tilespmem:s18+$0xD0]  }
0x1af: {  	[tilespmem:s18+$0x70] =	vst v5;
	v7 =	vmul.f32 v9, v1;
	v5 =	vld [tilespmem:s18+$0xE0]  }
0x1b0: {  	s18 =	sadd.s32 $0x200, s18;
	v6 =	vld [tilespmem:s16+$0xFFFFFF00];
	[tilespmem:s16+$0x80] =	vst v8;
	v8 =	vmul.f32 v10, v1  }
0x1b1: {  	[tilespmem:s16+$0x90] =	vst v7;
	v2 =	vmul.f32 v2, v1  }
0x1b2: {  	[tilespmem:s16+$0xA0] =	vst v8;
	v3 =	vmul.f32 v3, v1  }
0x1b3: {  	[tilespmem:s16+$0xB0] =	vst v2;
	v2 =	vmul.f32 v4, v1  }
0x1b4: {  	[tilespmem:s16+$0xC0] =	vst v3;
	v3 =	vmul.f32 v5, v1  }
0x1b5: {  	v1 =	vmul.f32 v6, v1;
	[tilespmem:s16+$0xD0] =	vst v2  }
0x1b6: {  	[tilespmem:s16+$0xE0] =	vst v3  }
0x1b7: {  	s15 =	sadd.s32 $0x1, s15;
	[tilespmem:s16+$0xFFFFFF00] =	vst v1  }
0x1b8: {  	[hbm4b:s6+s8] =	stream.strided.scatter [tilespmem:s10], [sflag:$0x4], $0x8000, s9, s8, $0x38;
	[tilespmem:$0x10000] =	vst v63  }
0x1b9: {  	p0 =	sne.s32 s15, s7;
	_ =	swait.ge [sflag:s13], $0x8000  }
.Ltmp4:
0x1ba: {  	[sflag:s13] =	ssyncset.done $0x0;
	(pc) =	sbr.rel @p0 .LBB2_1-.Ltmp4, $4  }
0x1bb: {  	[sflag:s13] =	ssyncadd.s32 $0xFFFF8000  }
0x1bc: {  	_ =	swait.ge [sflag:s14], $0x8000  }
0x1bd: {  	[sflag:s14] =	ssyncset.done $0x0  }
0x1be: {  	[sflag:s14] =	ssyncadd.s32 $0xFFFF8000  }
0x1bf: {  	_ =	sfence.sel $0x180000  }
0x1c0: {  	[bflag:$0x0] =	sbarrier.arrive $0xFFFF  }
0x1c1: {  	p0 =	sne.s32 s1, $0x0;
	_ =	strace $0x90000047  }
0x1c2: {  	s0 =	sadd.s32 @!p0 $0x100000, s0;
	[bflag:$0x2] =	sbarrier.arrive $0xFFFF  }
0x1c3: {  	[sflag:s0] =	ssyncadd.tile.s32 @!p0 $0x1;
	_ =	shalt  }
.Lfunc_end2:
_tile_overlayer_lowered:
.L_overlay_start_2:
0x1c4: {  	(tag) =	ssettag $0x2  }
0x1c5: {  	s0 =	rddreg [dreg:$0x0];
	s2 =	stileid.u32  }
0x1c6: {  	s1 =	rddreg [dreg:$0x1];
	p0 =	sne.s32 s2, $0x0  }
0x1c7: {  	s3 =	rddreg [dreg:$0x2];
	[bflag:$0x3] =	sbarrier.arrive $0xFFFF;
	s2 =	simm.s32 @!p0 $0x1C05  }
0x1c8: {  	[timem:s3], [sflag:s2] =	dma.local @!p0 [hbm:s0], s1  }
0x1c9: {  	s0 =	simm.s32 @!p0 $0x5  }
0x1ca: {  	_ =	swait.ge @!p0 [sflag:s0], s1  }
0x1cb: {  	s1 =	ssub.s32 @!p0 $0x0, s1;
	[sflag:s0] =	ssyncset.done @!p0 $0x0  }
0x1cc: {  	[sflag:s0] =	ssyncadd.s32 @!p0 s1  }
0x1cd: {  	[bflag:$0x3] =	sbarrier.arrive $0xFFFF  }
0x1ce: {  	_ =	shalt  }

</sc_bundles>
